<compile_context>
chip_gen: v7x
topology: tpu7x:2x2x1
jax: 0.10.2.dev20260603
libtpu: 0.0.44.dev20260713+nightly
codegen_flags: <defaults>
</compile_context>

<pallas_src>
import functools

import jax
import jax.numpy as jnp
from jax import lax
from jax.experimental import pallas as pl
from jax.experimental.pallas import tpu as pltpu
from jax.experimental.pallas import tpu_sc as plsc

N_NODES = 10000
D = 128
N_EDGES = 320000

NPAD = 10240
NW = 32
TILES = 16
CPT = D // NW
SEGE = 4096
EPAD = 327680
NSEGE = EPAD // SEGE
CW = CPT * NPAD

_mesh = plsc.VectorSubcoreMesh(core_axis_name="c", subcore_axis_name="s")


@functools.partial(
    pl.kernel,
    mesh=_mesh,
    compiler_params=pltpu.CompilerParams(needs_layout_passes=False),
    out_type=jax.ShapeDtypeStruct((D * NPAD,), jnp.float32),
    scratch_types=[
        pltpu.VMEM((CW,), jnp.float32),
        pltpu.VMEM((CW,), jnp.float32),
        pltpu.VMEM((2, SEGE), jnp.int32),
        pltpu.VMEM((2, SEGE), jnp.int32),
        pltpu.SemaphoreType.DMA,
        pltpu.SemaphoreType.DMA,
        pltpu.SemaphoreType.DMA,
        pltpu.SemaphoreType.DMA,
    ],
)
def _msg_call(y_hbm, src_hbm, dst_hbm, out_hbm,
              y_v, acc_v, src_v, dst_v, sems0, sems1, semd0, semd1):
    semss = [sems0, sems1]
    semds = [semd0, semd1]
    c = lax.axis_index("c")
    s = lax.axis_index("s")
    wid = c * TILES + s

    zero16 = jnp.zeros((16,), jnp.float32)

    def zbody(i, carry):
        acc_v[pl.ds(i * 16, 16)] = zero16
        return carry

    lax.fori_loop(0, CW // 16, zbody, 0)

    pltpu.sync_copy(y_hbm.at[pl.ds(wid * CW, CW)], y_v)

    pltpu.sync_copy(src_hbm.at[pl.ds(0, SEGE)], src_v.at[0])
    pltpu.sync_copy(dst_hbm.at[pl.ds(0, SEGE)], dst_v.at[0])
    pltpu.async_copy(src_hbm.at[pl.ds(SEGE, SEGE)], src_v.at[1], sems1)
    pltpu.async_copy(dst_hbm.at[pl.ds(SEGE, SEGE)], dst_v.at[1], semd1)

    colbase = [jnp.full((16,), kk * NPAD, jnp.int32) for kk in range(CPT)]

    def process(k, slot):
        def blk(b, carry):
            for g in range(2):
                s16 = src_v[slot, pl.ds(b * 32 + g * 16, 16)]
                d16 = dst_v[slot, pl.ds(b * 32 + g * 16, 16)]
                for kk in range(CPT):
                    v = plsc.load_gather(y_v, [s16 + colbase[kk]])
                    plsc.addupdate_scatter(acc_v, [d16 + colbase[kk]], v)
            return carry

        lax.fori_loop(0, SEGE // 32, blk, 0)

        @pl.when(k + 2 < NSEGE)
        def _():
            pltpu.async_copy(src_hbm.at[pl.ds((k + 2) * SEGE, SEGE)],
                             src_v.at[slot], semss[slot])
            pltpu.async_copy(dst_hbm.at[pl.ds((k + 2) * SEGE, SEGE)],
                             dst_v.at[slot], semds[slot])

    def wait_idx(slot):
        pltpu.make_async_copy(src_hbm.at[pl.ds(0, SEGE)],
                              src_v.at[slot], semss[slot]).wait()
        pltpu.make_async_copy(dst_hbm.at[pl.ds(0, SEGE)],
                              dst_v.at[slot], semds[slot]).wait()

    def body(k2, carry):
        ka = 2 * k2

        @pl.when(ka > 0)
        def _():
            wait_idx(0)

        process(ka, 0)
        wait_idx(1)
        process(ka + 1, 1)
        return carry

    lax.fori_loop(0, NSEGE // 2, body, 0)

    pltpu.sync_copy(acc_v, out_hbm.at[pl.ds(wid * CW, CW)])


EPT2 = EPAD // NW


@functools.partial(
    pl.kernel,
    mesh=_mesh,
    compiler_params=pltpu.CompilerParams(needs_layout_passes=False),
    out_type=jax.ShapeDtypeStruct((NW, NPAD), jnp.float32),
    scratch_types=[
        pltpu.VMEM((NPAD,), jnp.float32),
        pltpu.VMEM((EPT2,), jnp.int32),
    ],
)
def _cnt_call(dst_hbm, out_hbm, cnt_v, dst_v):
    c = lax.axis_index("c")
    s = lax.axis_index("s")
    wid = c * TILES + s

    zero16 = jnp.zeros((16,), jnp.float32)

    def zbody(i, carry):
        cnt_v[pl.ds(i * 16, 16)] = zero16
        return carry

    lax.fori_loop(0, NPAD // 16, zbody, 0)

    pltpu.sync_copy(dst_hbm.at[pl.ds(wid * EPT2, EPT2)], dst_v)
    ones16 = jnp.full((16,), 1.0, jnp.float32)

    def blk(b, carry):
        d16 = dst_v[pl.ds(b * 16, 16)]
        plsc.addupdate_scatter(cnt_v, [d16], ones16)
        return carry

    lax.fori_loop(0, EPT2 // 16, blk, 0)
    pltpu.sync_copy(cnt_v, out_hbm.at[wid])


BR = 1280
DEGW = 16


def _tc1_body(xt_ref, w1t_ref, cnt_ref, y_ref, d_ref):
    cnt = jnp.sum(cnt_ref[...], axis=0, keepdims=True)
    d = lax.rsqrt(cnt + 1.0)
    y_ref[...] = jnp.dot(w1t_ref[...], xt_ref[...],
                         preferred_element_type=jnp.float32) * d
    d_ref[...] = jnp.broadcast_to(d, (DEGW, BR))


def _tc2_body(acc_ref, y1_ref, d_ref, b1_ref, w2t_ref, y2_ref):
    d = d_ref[0:1, :]
    h = jnp.maximum((acc_ref[...] + y1_ref[...]) * d + b1_ref[:, 0:1], 0.0)
    y2_ref[...] = jnp.dot(w2t_ref[...], h,
                          preferred_element_type=jnp.float32) * d


def _tc3_body(acc_ref, y2_ref, d_ref, b2_ref, o_ref):
    d = d_ref[0:1, :]
    o_ref[...] = (acc_ref[...] + y2_ref[...]) * d + b2_ref[:, 0:1]


_tc1 = pl.pallas_call(
    _tc1_body,
    grid=(NPAD // BR,),
    in_specs=[
        pl.BlockSpec((D, BR), lambda i: (0, i)),
        pl.BlockSpec((D, D), lambda i: (0, 0)),
        pl.BlockSpec((NW, BR), lambda i: (0, i)),
    ],
    out_specs=[
        pl.BlockSpec((D, BR), lambda i: (0, i)),
        pl.BlockSpec((DEGW, BR), lambda i: (0, i)),
    ],
    out_shape=[
        jax.ShapeDtypeStruct((D, NPAD), jnp.float32),
        jax.ShapeDtypeStruct((DEGW, NPAD), jnp.float32),
    ],
)

_tc2 = pl.pallas_call(
    _tc2_body,
    grid=(NPAD // BR,),
    in_specs=[
        pl.BlockSpec((D, BR), lambda i: (0, i)),
        pl.BlockSpec((D, BR), lambda i: (0, i)),
        pl.BlockSpec((DEGW, BR), lambda i: (0, i)),
        pl.BlockSpec((D, D), lambda i: (0, 0)),
        pl.BlockSpec((D, D), lambda i: (0, 0)),
    ],
    out_specs=pl.BlockSpec((D, BR), lambda i: (0, i)),
    out_shape=jax.ShapeDtypeStruct((D, NPAD), jnp.float32),
)

_tc3 = pl.pallas_call(
    _tc3_body,
    grid=(NPAD // BR,),
    in_specs=[
        pl.BlockSpec((D, BR), lambda i: (0, i)),
        pl.BlockSpec((D, BR), lambda i: (0, i)),
        pl.BlockSpec((DEGW, BR), lambda i: (0, i)),
        pl.BlockSpec((D, D), lambda i: (0, 0)),
    ],
    out_specs=pl.BlockSpec((D, BR), lambda i: (0, i)),
    out_shape=jax.ShapeDtypeStruct((D, NPAD), jnp.float32),
)


@jax.jit
def kernel(x, edge_index, W1, b1, W2, b2):
    src = edge_index[0].astype(jnp.int32)
    dst = edge_index[1].astype(jnp.int32)
    pad = jnp.full((EPAD - N_EDGES,), N_NODES, jnp.int32)
    srcp = jnp.concatenate([src, pad])
    dstp = jnp.concatenate([dst, pad])

    x_pad = jnp.zeros((NPAD, D), jnp.float32).at[:N_NODES].set(x)
    xt = x_pad.T
    b1m = jnp.broadcast_to(b1.reshape(D, 1), (D, D))
    b2m = jnp.broadcast_to(b2.reshape(D, 1), (D, D))
    cnt = _cnt_call(dstp)
    y1, dmat = _tc1(xt, W1.T, cnt)
    acc1 = _msg_call(y1.reshape(-1), srcp, dstp).reshape(D, NPAD)
    y2 = _tc2(acc1, y1, dmat, b1m, W2.T)
    acc2 = _msg_call(y2.reshape(-1), srcp, dstp).reshape(D, NPAD)
    out = _tc3(acc2, y2, dmat, b2m)
    return out.T[:N_NODES]

# --- scband reference (transcript-rebuilt; emitter-appended) ---
"""Pipeline reference for scband-gcn-65094524338333 (READ-ONLY COPY).

The authoritative reference and input builder live on the scoring server;
editing this copy changes nothing except your own understanding.
"""

import jax, jax.numpy as jnp
import numpy as np

N_NODES = 10000
N_EDGES = 320000
D_IN = 128
D_HID = 128
D_OUT = 128


def gcn_conv(x, W, b, src, dst, num_nodes):
    # Linear transform first (PyG GCNConv default)
    x = x @ W
    # Add self-loops
    loop = jnp.arange(num_nodes, dtype=src.dtype)
    src_f = jnp.concatenate([src, loop])
    dst_f = jnp.concatenate([dst, loop])
    # Symmetric normalization D^{-1/2} (A+I) D^{-1/2}
    ones = jnp.ones(src_f.shape[0], dtype=x.dtype)
    deg = jax.ops.segment_sum(ones, dst_f, num_segments=num_nodes)
    deg_inv_sqrt = jnp.where(deg > 0, jax.lax.rsqrt(deg), 0.0)
    norm = deg_inv_sqrt[src_f] * deg_inv_sqrt[dst_f]
    # Gather messages from src, scale, scatter-add to dst
    msg = x[src_f] * norm[:, None]
    out = jax.ops.segment_sum(msg, dst_f, num_segments=num_nodes)
    return out + b


def setup_inputs(seed: int = 0) -> dict:
    key = jax.random.key(seed)
    k1, k2, k3, k4, k5, k6, k7 = jax.random.split(key, 7)
    x = jax.random.normal(k1, (N_NODES, D_IN), dtype=jnp.float32)
    edge_index = jax.random.randint(k2, (2, N_EDGES), 0, N_NODES, dtype=jnp.int64)
    # Glorot-style init for GCNConv weights, zero bias (PyG default)
    s1 = float(np.sqrt(6.0 / (D_IN + D_HID)))
    W1 = jax.random.uniform(k3, (D_IN, D_HID), dtype=jnp.float32, minval=-s1, maxval=s1)
    b1 = jnp.zeros((D_HID,), dtype=jnp.float32)
    s2 = float(np.sqrt(6.0 / (D_HID + D_OUT)))
    W2 = jax.random.uniform(k4, (D_HID, D_OUT), dtype=jnp.float32, minval=-s2, maxval=s2)
    b2 = jnp.zeros((D_OUT,), dtype=jnp.float32)
    return {"x": x, "edge_index": edge_index, "W1": W1, "b1": b1, "W2": W2, "b2": b2}


def reference(x, edge_index, W1, b1, W2, b2):
    src = edge_index[0]
    dst = edge_index[1]
    n = x.shape[0]
    h = gcn_conv(x, W1, b1, src, dst, n)
    h = jax.nn.relu(h)
    out = gcn_conv(h, W2, b2, src, dst, n)
    return out

if __name__ == "__main__":
    import jax
    _d = setup_inputs()
    print(jax.jit(kernel)(*tuple(_d.values())))

</pallas_src>

<mosaic_0001>
#map = affine_map<(d0, d1) -> (0)>
#map1 = affine_map<(d0, d1) -> (0, 0)>
module attributes {stable_mosaic.version = 14 : i64} {
  func.func @_cnt_call(%arg0: i32, %arg1: i32, %arg2: memref<327680xi32, #tpu.memory_space<hbm>>, %arg3: memref<32x10240xf32, #tpu.memory_space<hbm>>, %arg4: memref<10240xf32, #tpu.memory_space<vmem>>, %arg5: memref<10240xi32, #tpu.memory_space<vmem>>) attributes {dimension_semantics = [#tpu.dimension_semantics<core_parallel>, #tpu.dimension_semantics<subcore_parallel>], iteration_bounds = array<i64: 2, 16>, scalar_prefetch = 0 : i64, scratch_operands = 2 : i64, tpu.core_type = #tpu.core_type<sc_vector_subcore>, window_params = [{transform_indices = #map}, {transform_indices = #map1}]} {
    %mul3A = arith.constant 16 : i32
    %mul3A_0 = arith.muli %arg0, %mul3A : i32
    %add3A = arith.addi %mul3A_0, %arg1 : i32
    %broadcast_in_dim3A = arith.constant 0.000000e+00 : f32
    %broadcast_in_dim3A_1 = vector.broadcast %broadcast_in_dim3A : f32 to vector<16xf32>
    %scan3A = arith.constant 0 : i32
    %scan3A_2 = arith.constant 0 : i32
    %scan3A_3 = arith.constant 640 : i32
    %scan3A_4 = arith.addi %scan3A_2, %scan3A_3 : i32
    %scan3A_5 = arith.constant 1 : i32
    scf.for %scan3A_17 = %scan3A_2 to %scan3A_4 step %scan3A_5  : i32 {
      %mul3A_18 = arith.constant 16 : i32
      %mul3A_19 = arith.muli %scan3A_17, %mul3A_18 : i32
      %swap3A = arith.index_cast %mul3A_19 : i32 to index
      %swap3A_20 = tpu.vector_load %arg4[%swap3A] {strides = array<i32>} : memref<10240xf32, #tpu.memory_space<vmem>>, vector<16xf32>,
      tpu.vector_store %arg4[%swap3A], %broadcast_in_dim3A_1 {strides = array<i32>} : memref<10240xf32, #tpu.memory_space<vmem>>, vector<16xf32>,
    }
    %scan3A_6 = arith.constant 640 : i32
    %mul3A_7 = arith.constant 10240 : i32
    %mul3A_8 = arith.muli %add3A, %mul3A_7 : i32
    "tpu.region"() ({
      %run_scoped3A = tpu.sem_alloc : memref<!tpu.dma_semaphore, #tpu.memory_space<semaphore_mem>>
      %dma_start3A = tpu.memref_slice %arg2[%mul3A_8] : memref<327680xi32, #tpu.memory_space<hbm>> -> memref<10240xi32, #tpu.memory_space<hbm>>
      %dma_start3A_17 = tpu.memref_slice %arg2[%mul3A_8] : memref<327680xi32, #tpu.memory_space<hbm>> -> memref<10240xi32, #tpu.memory_space<hbm>>
      tpu.enqueue_dma source(%dma_start3A_17 : memref<10240xi32, #tpu.memory_space<hbm>>) target(%arg5 : memref<10240xi32, #tpu.memory_space<vmem>>) target_semaphore(%run_scoped3A : memref<!tpu.dma_semaphore, #tpu.memory_space<semaphore_mem>>)
      %dma_wait3A = tpu.memref_slice %arg2[%mul3A_8] : memref<327680xi32, #tpu.memory_space<hbm>> -> memref<10240xi32, #tpu.memory_space<hbm>>
      %dma_wait3A_18 = tpu.memref_slice %arg2[%mul3A_8] : memref<327680xi32, #tpu.memory_space<hbm>> -> memref<10240xi32, #tpu.memory_space<hbm>>
      tpu.wait_dma2 semaphore(%run_scoped3A : memref<!tpu.dma_semaphore, #tpu.memory_space<semaphore_mem>>) src(%dma_wait3A_18 : memref<10240xi32, #tpu.memory_space<hbm>>) dst(%arg5 : memref<10240xi32, #tpu.memory_space<vmem>>)
      tpu.yield
    }) : () -> ()
    %broadcast_in_dim3A_9 = arith.constant 1.000000e+00 : f32
    %broadcast_in_dim3A_10 = vector.broadcast %broadcast_in_dim3A_9 : f32 to vector<16xf32>
    %scan3A_11 = arith.constant 0 : i32
    %scan3A_12 = arith.constant 0 : i32
    %scan3A_13 = arith.constant 640 : i32
    %scan3A_14 = arith.addi %scan3A_12, %scan3A_13 : i32
    %scan3A_15 = arith.constant 1 : i32
    scf.for %scan3A_17 = %scan3A_12 to %scan3A_14 step %scan3A_15  : i32 {
      %mul3A_18 = arith.constant 16 : i32
      %mul3A_19 = arith.muli %scan3A_17, %mul3A_18 : i32
      %get3A = arith.index_cast %mul3A_19 : i32 to index
      %get3A_20 = tpu.vector_load %arg5[%get3A] {strides = array<i32>} : memref<10240xi32, #tpu.memory_space<vmem>>, vector<16xi32>,
      tpu.vector_store_idx %arg4[%get3A_20], %broadcast_in_dim3A_10 {add = true} : memref<10240xf32, #tpu.memory_space<vmem>>[vector<16xi32>], vector<16xf32>,
    }
    %scan3A_16 = arith.constant 640 : i32
    "tpu.region"() ({
      %run_scoped3A = tpu.sem_alloc : memref<!tpu.dma_semaphore, #tpu.memory_space<semaphore_mem>>
      %dma_start3A = arith.constant 0 : i32
      %dma_start3A_17 = tpu.memref_slice %arg3[%add3A, %dma_start3A] : memref<32x10240xf32, #tpu.memory_space<hbm>> -> memref<1x10240xf32, #tpu.memory_space<hbm>>
      %dma_start3A_18 = tpu.memref_squeeze %dma_start3A_17 : memref<1x10240xf32, #tpu.memory_space<hbm>> -> memref<10240xf32, #tpu.memory_space<hbm>>
      %dma_start3A_19 = arith.constant 0 : i32
      %dma_start3A_20 = tpu.memref_slice %arg3[%add3A, %dma_start3A_19] : memref<32x10240xf32, #tpu.memory_space<hbm>> -> memref<1x10240xf32, #tpu.memory_space<hbm>>
      %dma_start3A_21 = tpu.memref_squeeze %dma_start3A_20 : memref<1x10240xf32, #tpu.memory_space<hbm>> -> memref<10240xf32, #tpu.memory_space<hbm>>
      tpu.enqueue_dma source(%arg4 : memref<10240xf32, #tpu.memory_space<vmem>>) target(%dma_start3A_21 : memref<10240xf32, #tpu.memory_space<hbm>>) target_semaphore(%run_scoped3A : memref<!tpu.dma_semaphore, #tpu.memory_space<semaphore_mem>>)
      %dma_wait3A = arith.constant 0 : i32
      %dma_wait3A_22 = tpu.memref_slice %arg3[%add3A, %dma_wait3A] : memref<32x10240xf32, #tpu.memory_space<hbm>> -> memref<1x10240xf32, #tpu.memory_space<hbm>>
      %dma_wait3A_23 = tpu.memref_squeeze %dma_wait3A_22 : memref<1x10240xf32, #tpu.memory_space<hbm>> -> memref<10240xf32, #tpu.memory_space<hbm>>
      %dma_wait3A_24 = arith.constant 0 : i32
      %dma_wait3A_25 = tpu.memref_slice %arg3[%add3A, %dma_wait3A_24] : memref<32x10240xf32, #tpu.memory_space<hbm>> -> memref<1x10240xf32, #tpu.memory_space<hbm>>
      %dma_wait3A_26 = tpu.memref_squeeze %dma_wait3A_25 : memref<1x10240xf32, #tpu.memory_space<hbm>> -> memref<10240xf32, #tpu.memory_space<hbm>>
      tpu.wait_dma2 semaphore(%run_scoped3A : memref<!tpu.dma_semaphore, #tpu.memory_space<semaphore_mem>>) src(%arg4 : memref<10240xf32, #tpu.memory_space<vmem>>) dst(%dma_wait3A_26 : memref<10240xf32, #tpu.memory_space<hbm>>)
      tpu.yield
    }) : () -> ()
    return
  }
}

#map = affine_map<(d0, d1) -> (0)>
module attributes {stable_mosaic.version = 14 : i64} {
  func.func @_msg_call(%arg0: i32, %arg1: i32, %arg2: memref<1310720xf32, #tpu.memory_space<hbm>>, %arg3: memref<327680xi32, #tpu.memory_space<hbm>>, %arg4: memref<327680xi32, #tpu.memory_space<hbm>>, %arg5: memref<1310720xf32, #tpu.memory_space<hbm>>, %arg6: memref<40960xf32, #tpu.memory_space<vmem>>, %arg7: memref<40960xf32, #tpu.memory_space<vmem>>, %arg8: memref<2x4096xi32, #tpu.memory_space<vmem>>, %arg9: memref<2x4096xi32, #tpu.memory_space<vmem>>, %arg10: memref<!tpu.dma_semaphore, #tpu.memory_space<semaphore_mem>>, %arg11: memref<!tpu.dma_semaphore, #tpu.memory_space<semaphore_mem>>, %arg12: memref<!tpu.dma_semaphore, #tpu.memory_space<semaphore_mem>>, %arg13: memref<!tpu.dma_semaphore, #tpu.memory_space<semaphore_mem>>) attributes {dimension_semantics = [#tpu.dimension_semantics<core_parallel>, #tpu.dimension_semantics<subcore_parallel>], iteration_bounds = array<i64: 2, 16>, scalar_prefetch = 0 : i64, scratch_operands = 8 : i64, tpu.core_type = #tpu.core_type<sc_vector_subcore>, window_params = [{transform_indices = #map}, {transform_indices = #map}, {transform_indices = #map}, {transform_indices = #map}]} {
    %mul3A = arith.constant 16 : i32
    %mul3A_0 = arith.muli %arg0, %mul3A : i32
    %add3A = arith.addi %mul3A_0, %arg1 : i32
    %broadcast_in_dim3A = arith.constant 0.000000e+00 : f32
    %broadcast_in_dim3A_1 = vector.broadcast %broadcast_in_dim3A : f32 to vector<16xf32>
    %scan3A = arith.constant 0 : i32
    %scan3A_2 = arith.constant 0 : i32
    %scan3A_3 = arith.constant 2560 : i32
    %scan3A_4 = arith.addi %scan3A_2, %scan3A_3 : i32
    %scan3A_5 = arith.constant 1 : i32
    scf.for %scan3A_47 = %scan3A_2 to %scan3A_4 step %scan3A_5  : i32 {
      %mul3A_48 = arith.constant 16 : i32
      %mul3A_49 = arith.muli %scan3A_47, %mul3A_48 : i32
      %swap3A = arith.index_cast %mul3A_49 : i32 to index
      %swap3A_50 = tpu.vector_load %arg7[%swap3A] {strides = array<i32>} : memref<40960xf32, #tpu.memory_space<vmem>>, vector<16xf32>,
      tpu.vector_store %arg7[%swap3A], %broadcast_in_dim3A_1 {strides = array<i32>} : memref<40960xf32, #tpu.memory_space<vmem>>, vector<16xf32>,
    }
    %scan3A_6 = arith.constant 2560 : i32
    %mul3A_7 = arith.constant 40960 : i32
    %mul3A_8 = arith.muli %add3A, %mul3A_7 : i32
    "tpu.region"() ({
      %run_scoped3A_47 = tpu.sem_alloc : memref<!tpu.dma_semaphore, #tpu.memory_space<semaphore_mem>>
      %dma_start3A_48 = tpu.memref_slice %arg2[%mul3A_8] : memref<1310720xf32, #tpu.memory_space<hbm>> -> memref<40960xf32, #tpu.memory_space<hbm>>
      %dma_start3A_49 = tpu.memref_slice %arg2[%mul3A_8] : memref<1310720xf32, #tpu.memory_space<hbm>> -> memref<40960xf32, #tpu.memory_space<hbm>>
      tpu.enqueue_dma source(%dma_start3A_49 : memref<40960xf32, #tpu.memory_space<hbm>>) target(%arg6 : memref<40960xf32, #tpu.memory_space<vmem>>) target_semaphore(%run_scoped3A_47 : memref<!tpu.dma_semaphore, #tpu.memory_space<semaphore_mem>>)
      %dma_wait3A = tpu.memref_slice %arg2[%mul3A_8] : memref<1310720xf32, #tpu.memory_space<hbm>> -> memref<40960xf32, #tpu.memory_space<hbm>>
      %dma_wait3A_50 = tpu.memref_slice %arg2[%mul3A_8] : memref<1310720xf32, #tpu.memory_space<hbm>> -> memref<40960xf32, #tpu.memory_space<hbm>>
      tpu.wait_dma2 semaphore(%run_scoped3A_47 : memref<!tpu.dma_semaphore, #tpu.memory_space<semaphore_mem>>) src(%dma_wait3A_50 : memref<40960xf32, #tpu.memory_space<hbm>>) dst(%arg6 : memref<40960xf32, #tpu.memory_space<vmem>>)
      tpu.yield
    }) : () -> ()
    %run_scoped3A = arith.constant 0 : i32
    "tpu.region"() ({
      %run_scoped3A_47 = tpu.sem_alloc : memref<!tpu.dma_semaphore, #tpu.memory_space<semaphore_mem>>
      %dma_start3A_48 = arith.constant 0 : i32
      %dma_start3A_49 = tpu.memref_slice %arg8[%run_scoped3A, %dma_start3A_48] : memref<2x4096xi32, #tpu.memory_space<vmem>> -> memref<1x4096xi32, #tpu.memory_space<vmem>>
      %dma_start3A_50 = tpu.memref_squeeze %dma_start3A_49 : memref<1x4096xi32, #tpu.memory_space<vmem>> -> memref<4096xi32, #tpu.memory_space<vmem>>
      %dma_start3A_51 = arith.constant 0 : i32
      %dma_start3A_52 = tpu.memref_slice %arg3[%dma_start3A_51] : memref<327680xi32, #tpu.memory_space<hbm>> -> memref<4096xi32, #tpu.memory_space<hbm>>
      %dma_start3A_53 = arith.constant 0 : i32
      %dma_start3A_54 = tpu.memref_slice %arg8[%run_scoped3A, %dma_start3A_53] : memref<2x4096xi32, #tpu.memory_space<vmem>> -> memref<1x4096xi32, #tpu.memory_space<vmem>>
      %dma_start3A_55 = tpu.memref_squeeze %dma_start3A_54 : memref<1x4096xi32, #tpu.memory_space<vmem>> -> memref<4096xi32, #tpu.memory_space<vmem>>
      %dma_start3A_56 = arith.constant 0 : i32
      %dma_start3A_57 = tpu.memref_slice %arg3[%dma_start3A_56] : memref<327680xi32, #tpu.memory_space<hbm>> -> memref<4096xi32, #tpu.memory_space<hbm>>
      tpu.enqueue_dma source(%dma_start3A_57 : memref<4096xi32, #tpu.memory_space<hbm>>) target(%dma_start3A_55 : memref<4096xi32, #tpu.memory_space<vmem>>) target_semaphore(%run_scoped3A_47 : memref<!tpu.dma_semaphore, #tpu.memory_space<semaphore_mem>>)
      %dma_wait3A = arith.constant 0 : i32
      %dma_wait3A_58 = tpu.memref_slice %arg8[%run_scoped3A, %dma_wait3A] : memref<2x4096xi32, #tpu.memory_space<vmem>> -> memref<1x4096xi32, #tpu.memory_space<vmem>>
      %dma_wait3A_59 = tpu.memref_squeeze %dma_wait3A_58 : memref<1x4096xi32, #tpu.memory_space<vmem>> -> memref<4096xi32, #tpu.memory_space<vmem>>
      %dma_wait3A_60 = arith.constant 0 : i32
      %dma_wait3A_61 = tpu.memref_slice %arg3[%dma_wait3A_60] : memref<327680xi32, #tpu.memory_space<hbm>> -> memref<4096xi32, #tpu.memory_space<hbm>>
      %dma_wait3A_62 = arith.constant 0 : i32
      %dma_wait3A_63 = tpu.memref_slice %arg8[%run_scoped3A, %dma_wait3A_62] : memref<2x4096xi32, #tpu.memory_space<vmem>> -> memref<1x4096xi32, #tpu.memory_space<vmem>>
      %dma_wait3A_64 = tpu.memref_squeeze %dma_wait3A_63 : memref<1x4096xi32, #tpu.memory_space<vmem>> -> memref<4096xi32, #tpu.memory_space<vmem>>
      %dma_wait3A_65 = arith.constant 0 : i32
      %dma_wait3A_66 = tpu.memref_slice %arg3[%dma_wait3A_65] : memref<327680xi32, #tpu.memory_space<hbm>> -> memref<4096xi32, #tpu.memory_space<hbm>>
      tpu.wait_dma2 semaphore(%run_scoped3A_47 : memref<!tpu.dma_semaphore, #tpu.memory_space<semaphore_mem>>) src(%dma_wait3A_66 : memref<4096xi32, #tpu.memory_space<hbm>>) dst(%dma_wait3A_64 : memref<4096xi32, #tpu.memory_space<vmem>>)
      tpu.yield
    }) : () -> ()
    %run_scoped3A_9 = arith.constant 0 : i32
    "tpu.region"() ({
      %run_scoped3A_47 = tpu.sem_alloc : memref<!tpu.dma_semaphore, #tpu.memory_space<semaphore_mem>>
      %dma_start3A_48 = arith.constant 0 : i32
      %dma_start3A_49 = tpu.memref_slice %arg9[%run_scoped3A_9, %dma_start3A_48] : memref<2x4096xi32, #tpu.memory_space<vmem>> -> memref<1x4096xi32, #tpu.memory_space<vmem>>
      %dma_start3A_50 = tpu.memref_squeeze %dma_start3A_49 : memref<1x4096xi32, #tpu.memory_space<vmem>> -> memref<4096xi32, #tpu.memory_space<vmem>>
      %dma_start3A_51 = arith.constant 0 : i32
      %dma_start3A_52 = tpu.memref_slice %arg4[%dma_start3A_51] : memref<327680xi32, #tpu.memory_space<hbm>> -> memref<4096xi32, #tpu.memory_space<hbm>>
      %dma_start3A_53 = arith.constant 0 : i32
      %dma_start3A_54 = tpu.memref_slice %arg9[%run_scoped3A_9, %dma_start3A_53] : memref<2x4096xi32, #tpu.memory_space<vmem>> -> memref<1x4096xi32, #tpu.memory_space<vmem>>
      %dma_start3A_55 = tpu.memref_squeeze %dma_start3A_54 : memref<1x4096xi32, #tpu.memory_space<vmem>> -> memref<4096xi32, #tpu.memory_space<vmem>>
      %dma_start3A_56 = arith.constant 0 : i32
      %dma_start3A_57 = tpu.memref_slice %arg4[%dma_start3A_56] : memref<327680xi32, #tpu.memory_space<hbm>> -> memref<4096xi32, #tpu.memory_space<hbm>>
      tpu.enqueue_dma source(%dma_start3A_57 : memref<4096xi32, #tpu.memory_space<hbm>>) target(%dma_start3A_55 : memref<4096xi32, #tpu.memory_space<vmem>>) target_semaphore(%run_scoped3A_47 : memref<!tpu.dma_semaphore, #tpu.memory_space<semaphore_mem>>)
      %dma_wait3A = arith.constant 0 : i32
      %dma_wait3A_58 = tpu.memref_slice %arg9[%run_scoped3A_9, %dma_wait3A] : memref<2x4096xi32, #tpu.memory_space<vmem>> -> memref<1x4096xi32, #tpu.memory_space<vmem>>
      %dma_wait3A_59 = tpu.memref_squeeze %dma_wait3A_58 : memref<1x4096xi32, #tpu.memory_space<vmem>> -> memref<4096xi32, #tpu.memory_space<vmem>>
      %dma_wait3A_60 = arith.constant 0 : i32
      %dma_wait3A_61 = tpu.memref_slice %arg4[%dma_wait3A_60] : memref<327680xi32, #tpu.memory_space<hbm>> -> memref<4096xi32, #tpu.memory_space<hbm>>
      %dma_wait3A_62 = arith.constant 0 : i32
      %dma_wait3A_63 = tpu.memref_slice %arg9[%run_scoped3A_9, %dma_wait3A_62] : memref<2x4096xi32, #tpu.memory_space<vmem>> -> memref<1x4096xi32, #tpu.memory_space<vmem>>
      %dma_wait3A_64 = tpu.memref_squeeze %dma_wait3A_63 : memref<1x4096xi32, #tpu.memory_space<vmem>> -> memref<4096xi32, #tpu.memory_space<vmem>>
      %dma_wait3A_65 = arith.constant 0 : i32
      %dma_wait3A_66 = tpu.memref_slice %arg4[%dma_wait3A_65] : memref<327680xi32, #tpu.memory_space<hbm>> -> memref<4096xi32, #tpu.memory_space<hbm>>
      tpu.wait_dma2 semaphore(%run_scoped3A_47 : memref<!tpu.dma_semaphore, #tpu.memory_space<semaphore_mem>>) src(%dma_wait3A_66 : memref<4096xi32, #tpu.memory_space<hbm>>) dst(%dma_wait3A_64 : memref<4096xi32, #tpu.memory_space<vmem>>)
      tpu.yield
    }) : () -> ()
    %dma_start3A = arith.constant 1 : i32
    %dma_start3A_10 = arith.constant 0 : i32
    %dma_start3A_11 = tpu.memref_slice %arg8[%dma_start3A, %dma_start3A_10] : memref<2x4096xi32, #tpu.memory_space<vmem>> -> memref<1x4096xi32, #tpu.memory_space<vmem>>
    %dma_start3A_12 = tpu.memref_squeeze %dma_start3A_11 : memref<1x4096xi32, #tpu.memory_space<vmem>> -> memref<4096xi32, #tpu.memory_space<vmem>>
    %dma_start3A_13 = arith.constant 4096 : i32
    %dma_start3A_14 = tpu.memref_slice %arg3[%dma_start3A_13] : memref<327680xi32, #tpu.memory_space<hbm>> -> memref<4096xi32, #tpu.memory_space<hbm>>
    %dma_start3A_15 = arith.constant 0 : i32
    %dma_start3A_16 = tpu.memref_slice %arg8[%dma_start3A, %dma_start3A_15] : memref<2x4096xi32, #tpu.memory_space<vmem>> -> memref<1x4096xi32, #tpu.memory_space<vmem>>
    %dma_start3A_17 = tpu.memref_squeeze %dma_start3A_16 : memref<1x4096xi32, #tpu.memory_space<vmem>> -> memref<4096xi32, #tpu.memory_space<vmem>>
    %dma_start3A_18 = arith.constant 4096 : i32
    %dma_start3A_19 = tpu.memref_slice %arg3[%dma_start3A_18] : memref<327680xi32, #tpu.memory_space<hbm>> -> memref<4096xi32, #tpu.memory_space<hbm>>
    tpu.enqueue_dma source(%dma_start3A_19 : memref<4096xi32, #tpu.memory_space<hbm>>) target(%dma_start3A_17 : memref<4096xi32, #tpu.memory_space<vmem>>) target_semaphore(%arg11 : memref<!tpu.dma_semaphore, #tpu.memory_space<semaphore_mem>>)
    %dma_start3A_20 = arith.constant 1 : i32
    %dma_start3A_21 = arith.constant 0 : i32
    %dma_start3A_22 = tpu.memref_slice %arg9[%dma_start3A_20, %dma_start3A_21] : memref<2x4096xi32, #tpu.memory_space<vmem>> -> memref<1x4096xi32, #tpu.memory_space<vmem>>
    %dma_start3A_23 = tpu.memref_squeeze %dma_start3A_22 : memref<1x4096xi32, #tpu.memory_space<vmem>> -> memref<4096xi32, #tpu.memory_space<vmem>>
    %dma_start3A_24 = arith.constant 4096 : i32
    %dma_start3A_25 = tpu.memref_slice %arg4[%dma_start3A_24] : memref<327680xi32, #tpu.memory_space<hbm>> -> memref<4096xi32, #tpu.memory_space<hbm>>
    %dma_start3A_26 = arith.constant 0 : i32
    %dma_start3A_27 = tpu.memref_slice %arg9[%dma_start3A_20, %dma_start3A_26] : memref<2x4096xi32, #tpu.memory_space<vmem>> -> memref<1x4096xi32, #tpu.memory_space<vmem>>
    %dma_start3A_28 = tpu.memref_squeeze %dma_start3A_27 : memref<1x4096xi32, #tpu.memory_space<vmem>> -> memref<4096xi32, #tpu.memory_space<vmem>>
    %dma_start3A_29 = arith.constant 4096 : i32
    %dma_start3A_30 = tpu.memref_slice %arg4[%dma_start3A_29] : memref<327680xi32, #tpu.memory_space<hbm>> -> memref<4096xi32, #tpu.memory_space<hbm>>
    tpu.enqueue_dma source(%dma_start3A_30 : memref<4096xi32, #tpu.memory_space<hbm>>) target(%dma_start3A_28 : memref<4096xi32, #tpu.memory_space<vmem>>) target_semaphore(%arg13 : memref<!tpu.dma_semaphore, #tpu.memory_space<semaphore_mem>>)
    %broadcast_in_dim3A_31 = arith.constant 0 : i32
    %broadcast_in_dim3A_32 = vector.broadcast %broadcast_in_dim3A_31 : i32 to vector<16xi32>
    %broadcast_in_dim3A_33 = arith.constant 10240 : i32
    %broadcast_in_dim3A_34 = vector.broadcast %broadcast_in_dim3A_33 : i32 to vector<16xi32>
    %broadcast_in_dim3A_35 = arith.constant 20480 : i32
    %broadcast_in_dim3A_36 = vector.broadcast %broadcast_in_dim3A_35 : i32 to vector<16xi32>
    %broadcast_in_dim3A_37 = arith.constant 30720 : i32
    %broadcast_in_dim3A_38 = vector.broadcast %broadcast_in_dim3A_37 : i32 to vector<16xi32>
    %scan3A_39 = arith.constant 0 : i32
    %scan3A_40 = arith.constant 0 : i32
    %scan3A_41 = arith.constant 40 : i32
    %scan3A_42 = arith.addi %scan3A_40, %scan3A_41 : i32
    %scan3A_43 = arith.constant 1 : i32
    scf.for %scan3A_47 = %scan3A_40 to %scan3A_42 step %scan3A_43  : i32 {
      %mul3A_48 = arith.constant 2 : i32
      %mul3A_49 = arith.muli %mul3A_48, %scan3A_47 : i32
      %gt3A = arith.constant 0 : i32
      %gt3A_50 = arith.cmpi sgt, %mul3A_49, %gt3A : i32
      %convert_element_type3A = arith.extui %gt3A_50 : i1 to i32
      %cond3A = arith.constant 0 : i32
      %cond3A_51 = arith.cmpi ne, %convert_element_type3A, %cond3A : i32
      scf.if %cond3A_51 {
        %dma_wait3A_100 = arith.constant 0 : i32
        %dma_wait3A_101 = arith.constant 0 : i32
        %dma_wait3A_102 = tpu.memref_slice %arg8[%dma_wait3A_100, %dma_wait3A_101] : memref<2x4096xi32, #tpu.memory_space<vmem>> -> memref<1x4096xi32, #tpu.memory_space<vmem>>
        %dma_wait3A_103 = tpu.memref_squeeze %dma_wait3A_102 : memref<1x4096xi32, #tpu.memory_space<vmem>> -> memref<4096xi32, #tpu.memory_space<vmem>>
        %dma_wait3A_104 = arith.constant 0 : i32
        %dma_wait3A_105 = tpu.memref_slice %arg3[%dma_wait3A_104] : memref<327680xi32, #tpu.memory_space<hbm>> -> memref<4096xi32, #tpu.memory_space<hbm>>
        %dma_wait3A_106 = arith.constant 0 : i32
        %dma_wait3A_107 = tpu.memref_slice %arg8[%dma_wait3A_100, %dma_wait3A_106] : memref<2x4096xi32, #tpu.memory_space<vmem>> -> memref<1x4096xi32, #tpu.memory_space<vmem>>
        %dma_wait3A_108 = tpu.memref_squeeze %dma_wait3A_107 : memref<1x4096xi32, #tpu.memory_space<vmem>> -> memref<4096xi32, #tpu.memory_space<vmem>>
        %dma_wait3A_109 = arith.constant 0 : i32
        %dma_wait3A_110 = tpu.memref_slice %arg3[%dma_wait3A_109] : memref<327680xi32, #tpu.memory_space<hbm>> -> memref<4096xi32, #tpu.memory_space<hbm>>
        tpu.wait_dma2 semaphore(%arg10 : memref<!tpu.dma_semaphore, #tpu.memory_space<semaphore_mem>>) src(%dma_wait3A_110 : memref<4096xi32, #tpu.memory_space<hbm>>) dst(%dma_wait3A_108 : memref<4096xi32, #tpu.memory_space<vmem>>)
        %dma_wait3A_111 = arith.constant 0 : i32
        %dma_wait3A_112 = arith.constant 0 : i32
        %dma_wait3A_113 = tpu.memref_slice %arg9[%dma_wait3A_111, %dma_wait3A_112] : memref<2x4096xi32, #tpu.memory_space<vmem>> -> memref<1x4096xi32, #tpu.memory_space<vmem>>
        %dma_wait3A_114 = tpu.memref_squeeze %dma_wait3A_113 : memref<1x4096xi32, #tpu.memory_space<vmem>> -> memref<4096xi32, #tpu.memory_space<vmem>>
        %dma_wait3A_115 = arith.constant 0 : i32
        %dma_wait3A_116 = tpu.memref_slice %arg4[%dma_wait3A_115] : memref<327680xi32, #tpu.memory_space<hbm>> -> memref<4096xi32, #tpu.memory_space<hbm>>
        %dma_wait3A_117 = arith.constant 0 : i32
        %dma_wait3A_118 = tpu.memref_slice %arg9[%dma_wait3A_111, %dma_wait3A_117] : memref<2x4096xi32, #tpu.memory_space<vmem>> -> memref<1x4096xi32, #tpu.memory_space<vmem>>
        %dma_wait3A_119 = tpu.memref_squeeze %dma_wait3A_118 : memref<1x4096xi32, #tpu.memory_space<vmem>> -> memref<4096xi32, #tpu.memory_space<vmem>>
        %dma_wait3A_120 = arith.constant 0 : i32
        %dma_wait3A_121 = tpu.memref_slice %arg4[%dma_wait3A_120] : memref<327680xi32, #tpu.memory_space<hbm>> -> memref<4096xi32, #tpu.memory_space<hbm>>
        tpu.wait_dma2 semaphore(%arg12 : memref<!tpu.dma_semaphore, #tpu.memory_space<semaphore_mem>>) src(%dma_wait3A_121 : memref<4096xi32, #tpu.memory_space<hbm>>) dst(%dma_wait3A_119 : memref<4096xi32, #tpu.memory_space<vmem>>)
      } else {
      }
      %scan3A_52 = arith.constant 0 : i32
      %scan3A_53 = arith.constant 0 : i32
      %scan3A_54 = arith.constant 128 : i32
      %scan3A_55 = arith.addi %scan3A_53, %scan3A_54 : i32
      %scan3A_56 = arith.constant 1 : i32
      scf.for %scan3A_100 = %scan3A_53 to %scan3A_55 step %scan3A_56  : i32 {
        %mul3A_101 = arith.constant 32 : i32
        %mul3A_102 = arith.muli %scan3A_100, %mul3A_101 : i32
        %add3A_103 = arith.constant 0 : i32
        %add3A_104 = arith.addi %mul3A_102, %add3A_103 : i32
        %get3A = arith.constant 0 : i32
        %get3A_105 = arith.index_cast %get3A : i32 to index
        %get3A_106 = arith.index_cast %add3A_104 : i32 to index
        %get3A_107 = tpu.vector_load %arg8[%get3A_105, %get3A_106] {strides = array<i32>} : memref<2x4096xi32, #tpu.memory_space<vmem>>, vector<16xi32>,
        %mul3A_108 = arith.constant 32 : i32
        %mul3A_109 = arith.muli %scan3A_100, %mul3A_108 : i32
        %add3A_110 = arith.constant 0 : i32
        %add3A_111 = arith.addi %mul3A_109, %add3A_110 : i32
        %get3A_112 = arith.constant 0 : i32
        %get3A_113 = arith.index_cast %get3A_112 : i32 to index
        %get3A_114 = arith.index_cast %add3A_111 : i32 to index
        %get3A_115 = tpu.vector_load %arg9[%get3A_113, %get3A_114] {strides = array<i32>} : memref<2x4096xi32, #tpu.memory_space<vmem>>, vector<16xi32>,
        %add3A_116 = arith.addi %get3A_107, %broadcast_in_dim3A_32 : vector<16xi32>
        %gather3A = tpu.vector_load_idx %arg6[%add3A_116] : memref<40960xf32, #tpu.memory_space<vmem>>[vector<16xi32>], vector<16xf32>,
        %add3A_117 = arith.addi %get3A_115, %broadcast_in_dim3A_32 : vector<16xi32>
        tpu.vector_store_idx %arg7[%add3A_117], %gather3A {add = true} : memref<40960xf32, #tpu.memory_space<vmem>>[vector<16xi32>], vector<16xf32>,
        %add3A_118 = arith.addi %get3A_107, %broadcast_in_dim3A_34 : vector<16xi32>
        %gather3A_119 = tpu.vector_load_idx %arg6[%add3A_118] : memref<40960xf32, #tpu.memory_space<vmem>>[vector<16xi32>], vector<16xf32>,
        %add3A_120 = arith.addi %get3A_115, %broadcast_in_dim3A_34 : vector<16xi32>
        tpu.vector_store_idx %arg7[%add3A_120], %gather3A_119 {add = true} : memref<40960xf32, #tpu.memory_space<vmem>>[vector<16xi32>], vector<16xf32>,
        %add3A_121 = arith.addi %get3A_107, %broadcast_in_dim3A_36 : vector<16xi32>
        %gather3A_122 = tpu.vector_load_idx %arg6[%add3A_121] : memref<40960xf32, #tpu.memory_space<vmem>>[vector<16xi32>], vector<16xf32>,
        %add3A_123 = arith.addi %get3A_115, %broadcast_in_dim3A_36 : vector<16xi32>
        tpu.vector_store_idx %arg7[%add3A_123], %gather3A_122 {add = true} : memref<40960xf32, #tpu.memory_space<vmem>>[vector<16xi32>], vector<16xf32>,
        %add3A_124 = arith.addi %get3A_107, %broadcast_in_dim3A_38 : vector<16xi32>
        %gather3A_125 = tpu.vector_load_idx %arg6[%add3A_124] : memref<40960xf32, #tpu.memory_space<vmem>>[vector<16xi32>], vector<16xf32>,
        %add3A_126 = arith.addi %get3A_115, %broadcast_in_dim3A_38 : vector<16xi32>
        tpu.vector_store_idx %arg7[%add3A_126], %gather3A_125 {add = true} : memref<40960xf32, #tpu.memory_space<vmem>>[vector<16xi32>], vector<16xf32>,
        %mul3A_127 = arith.constant 32 : i32
        %mul3A_128 = arith.muli %scan3A_100, %mul3A_127 : i32
        %add3A_129 = arith.constant 16 : i32
        %add3A_130 = arith.addi %mul3A_128, %add3A_129 : i32
        %get3A_131 = arith.constant 0 : i32
        %get3A_132 = arith.index_cast %get3A_131 : i32 to index
        %get3A_133 = arith.index_cast %add3A_130 : i32 to index
        %get3A_134 = tpu.vector_load %arg8[%get3A_132, %get3A_133] {strides = array<i32>} : memref<2x4096xi32, #tpu.memory_space<vmem>>, vector<16xi32>,
        %mul3A_135 = arith.constant 32 : i32
        %mul3A_136 = arith.muli %scan3A_100, %mul3A_135 : i32
        %add3A_137 = arith.constant 16 : i32
        %add3A_138 = arith.addi %mul3A_136, %add3A_137 : i32
        %get3A_139 = arith.constant 0 : i32
        %get3A_140 = arith.index_cast %get3A_139 : i32 to index
        %get3A_141 = arith.index_cast %add3A_138 : i32 to index
        %get3A_142 = tpu.vector_load %arg9[%get3A_140, %get3A_141] {strides = array<i32>} : memref<2x4096xi32, #tpu.memory_space<vmem>>, vector<16xi32>,
        %add3A_143 = arith.addi %get3A_134, %broadcast_in_dim3A_32 : vector<16xi32>
        %gather3A_144 = tpu.vector_load_idx %arg6[%add3A_143] : memref<40960xf32, #tpu.memory_space<vmem>>[vector<16xi32>], vector<16xf32>,
        %add3A_145 = arith.addi %get3A_142, %broadcast_in_dim3A_32 : vector<16xi32>
        tpu.vector_store_idx %arg7[%add3A_145], %gather3A_144 {add = true} : memref<40960xf32, #tpu.memory_space<vmem>>[vector<16xi32>], vector<16xf32>,
        %add3A_146 = arith.addi %get3A_134, %broadcast_in_dim3A_34 : vector<16xi32>
        %gather3A_147 = tpu.vector_load_idx %arg6[%add3A_146] : memref<40960xf32, #tpu.memory_space<vmem>>[vector<16xi32>], vector<16xf32>,
        %add3A_148 = arith.addi %get3A_142, %broadcast_in_dim3A_34 : vector<16xi32>
        tpu.vector_store_idx %arg7[%add3A_148], %gather3A_147 {add = true} : memref<40960xf32, #tpu.memory_space<vmem>>[vector<16xi32>], vector<16xf32>,
        %add3A_149 = arith.addi %get3A_134, %broadcast_in_dim3A_36 : vector<16xi32>
        %gather3A_150 = tpu.vector_load_idx %arg6[%add3A_149] : memref<40960xf32, #tpu.memory_space<vmem>>[vector<16xi32>], vector<16xf32>,
        %add3A_151 = arith.addi %get3A_142, %broadcast_in_dim3A_36 : vector<16xi32>
        tpu.vector_store_idx %arg7[%add3A_151], %gather3A_150 {add = true} : memref<40960xf32, #tpu.memory_space<vmem>>[vector<16xi32>], vector<16xf32>,
        %add3A_152 = arith.addi %get3A_134, %broadcast_in_dim3A_38 : vector<16xi32>
        %gather3A_153 = tpu.vector_load_idx %arg6[%add3A_152] : memref<40960xf32, #tpu.memory_space<vmem>>[vector<16xi32>], vector<16xf32>,
        %add3A_154 = arith.addi %get3A_142, %broadcast_in_dim3A_38 : vector<16xi32>
        tpu.vector_store_idx %arg7[%add3A_154], %gather3A_153 {add = true} : memref<40960xf32, #tpu.memory_space<vmem>>[vector<16xi32>], vector<16xf32>,
      }
      %scan3A_57 = arith.constant 128 : i32
      %add3A_58 = arith.constant 2 : i32
      %add3A_59 = arith.addi %mul3A_49, %add3A_58 : i32
      %lt3A = arith.constant 80 : i32
      %lt3A_60 = arith.cmpi slt, %add3A_59, %lt3A : i32
      %convert_element_type3A_61 = arith.extui %lt3A_60 : i1 to i32
      %cond3A_62 = arith.constant 0 : i32
      %cond3A_63 = arith.cmpi ne, %convert_element_type3A_61, %cond3A_62 : i32
      scf.if %cond3A_63 {
        %add3A_100 = arith.constant 2 : i32
        %add3A_101 = arith.addi %mul3A_49, %add3A_100 : i32
        %mul3A_102 = arith.constant 4096 : i32
        %mul3A_103 = arith.muli %add3A_101, %mul3A_102 : i32
        %dma_start3A_104 = arith.constant 0 : i32
        %dma_start3A_105 = arith.constant 0 : i32
        %dma_start3A_106 = tpu.memref_slice %arg8[%dma_start3A_104, %dma_start3A_105] : memref<2x4096xi32, #tpu.memory_space<vmem>> -> memref<1x4096xi32, #tpu.memory_space<vmem>>
        %dma_start3A_107 = tpu.memref_squeeze %dma_start3A_106 : memref<1x4096xi32, #tpu.memory_space<vmem>> -> memref<4096xi32, #tpu.memory_space<vmem>>
        %dma_start3A_108 = tpu.memref_slice %arg3[%mul3A_103] : memref<327680xi32, #tpu.memory_space<hbm>> -> memref<4096xi32, #tpu.memory_space<hbm>>
        %dma_start3A_109 = arith.constant 0 : i32
        %dma_start3A_110 = tpu.memref_slice %arg8[%dma_start3A_104, %dma_start3A_109] : memref<2x4096xi32, #tpu.memory_space<vmem>> -> memref<1x4096xi32, #tpu.memory_space<vmem>>
        %dma_start3A_111 = tpu.memref_squeeze %dma_start3A_110 : memref<1x4096xi32, #tpu.memory_space<vmem>> -> memref<4096xi32, #tpu.memory_space<vmem>>
        %dma_start3A_112 = tpu.memref_slice %arg3[%mul3A_103] : memref<327680xi32, #tpu.memory_space<hbm>> -> memref<4096xi32, #tpu.memory_space<hbm>>
        tpu.enqueue_dma source(%dma_start3A_112 : memref<4096xi32, #tpu.memory_space<hbm>>) target(%dma_start3A_111 : memref<4096xi32, #tpu.memory_space<vmem>>) target_semaphore(%arg10 : memref<!tpu.dma_semaphore, #tpu.memory_space<semaphore_mem>>)
        %add3A_113 = arith.constant 2 : i32
        %add3A_114 = arith.addi %mul3A_49, %add3A_113 : i32
        %mul3A_115 = arith.constant 4096 : i32
        %mul3A_116 = arith.muli %add3A_114, %mul3A_115 : i32
        %dma_start3A_117 = arith.constant 0 : i32
        %dma_start3A_118 = arith.constant 0 : i32
        %dma_start3A_119 = tpu.memref_slice %arg9[%dma_start3A_117, %dma_start3A_118] : memref<2x4096xi32, #tpu.memory_space<vmem>> -> memref<1x4096xi32, #tpu.memory_space<vmem>>
        %dma_start3A_120 = tpu.memref_squeeze %dma_start3A_119 : memref<1x4096xi32, #tpu.memory_space<vmem>> -> memref<4096xi32, #tpu.memory_space<vmem>>
        %dma_start3A_121 = tpu.memref_slice %arg4[%mul3A_116] : memref<327680xi32, #tpu.memory_space<hbm>> -> memref<4096xi32, #tpu.memory_space<hbm>>
        %dma_start3A_122 = arith.constant 0 : i32
        %dma_start3A_123 = tpu.memref_slice %arg9[%dma_start3A_117, %dma_start3A_122] : memref<2x4096xi32, #tpu.memory_space<vmem>> -> memref<1x4096xi32, #tpu.memory_space<vmem>>
        %dma_start3A_124 = tpu.memref_squeeze %dma_start3A_123 : memref<1x4096xi32, #tpu.memory_space<vmem>> -> memref<4096xi32, #tpu.memory_space<vmem>>
        %dma_start3A_125 = tpu.memref_slice %arg4[%mul3A_116] : memref<327680xi32, #tpu.memory_space<hbm>> -> memref<4096xi32, #tpu.memory_space<hbm>>
        tpu.enqueue_dma source(%dma_start3A_125 : memref<4096xi32, #tpu.memory_space<hbm>>) target(%dma_start3A_124 : memref<4096xi32, #tpu.memory_space<vmem>>) target_semaphore(%arg12 : memref<!tpu.dma_semaphore, #tpu.memory_space<semaphore_mem>>)
      } else {
      }
      %dma_wait3A = arith.constant 1 : i32
      %dma_wait3A_64 = arith.constant 0 : i32
      %dma_wait3A_65 = tpu.memref_slice %arg8[%dma_wait3A, %dma_wait3A_64] : memref<2x4096xi32, #tpu.memory_space<vmem>> -> memref<1x4096xi32, #tpu.memory_space<vmem>>
      %dma_wait3A_66 = tpu.memref_squeeze %dma_wait3A_65 : memref<1x4096xi32, #tpu.memory_space<vmem>> -> memref<4096xi32, #tpu.memory_space<vmem>>
      %dma_wait3A_67 = arith.constant 0 : i32
      %dma_wait3A_68 = tpu.memref_slice %arg3[%dma_wait3A_67] : memref<327680xi32, #tpu.memory_space<hbm>> -> memref<4096xi32, #tpu.memory_space<hbm>>
      %dma_wait3A_69 = arith.constant 0 : i32
      %dma_wait3A_70 = tpu.memref_slice %arg8[%dma_wait3A, %dma_wait3A_69] : memref<2x4096xi32, #tpu.memory_space<vmem>> -> memref<1x4096xi32, #tpu.memory_space<vmem>>
      %dma_wait3A_71 = tpu.memref_squeeze %dma_wait3A_70 : memref<1x4096xi32, #tpu.memory_space<vmem>> -> memref<4096xi32, #tpu.memory_space<vmem>>
      %dma_wait3A_72 = arith.constant 0 : i32
      %dma_wait3A_73 = tpu.memref_slice %arg3[%dma_wait3A_72] : memref<327680xi32, #tpu.memory_space<hbm>> -> memref<4096xi32, #tpu.memory_space<hbm>>
      tpu.wait_dma2 semaphore(%arg11 : memref<!tpu.dma_semaphore, #tpu.memory_space<semaphore_mem>>) src(%dma_wait3A_73 : memref<4096xi32, #tpu.memory_space<hbm>>) dst(%dma_wait3A_71 : memref<4096xi32, #tpu.memory_space<vmem>>)
      %dma_wait3A_74 = arith.constant 1 : i32
      %dma_wait3A_75 = arith.constant 0 : i32
      %dma_wait3A_76 = tpu.memref_slice %arg9[%dma_wait3A_74, %dma_wait3A_75] : memref<2x4096xi32, #tpu.memory_space<vmem>> -> memref<1x4096xi32, #tpu.memory_space<vmem>>
      %dma_wait3A_77 = tpu.memref_squeeze %dma_wait3A_76 : memref<1x4096xi32, #tpu.memory_space<vmem>> -> memref<4096xi32, #tpu.memory_space<vmem>>
      %dma_wait3A_78 = arith.constant 0 : i32
      %dma_wait3A_79 = tpu.memref_slice %arg4[%dma_wait3A_78] : memref<327680xi32, #tpu.memory_space<hbm>> -> memref<4096xi32, #tpu.memory_space<hbm>>
      %dma_wait3A_80 = arith.constant 0 : i32
      %dma_wait3A_81 = tpu.memref_slice %arg9[%dma_wait3A_74, %dma_wait3A_80] : memref<2x4096xi32, #tpu.memory_space<vmem>> -> memref<1x4096xi32, #tpu.memory_space<vmem>>
      %dma_wait3A_82 = tpu.memref_squeeze %dma_wait3A_81 : memref<1x4096xi32, #tpu.memory_space<vmem>> -> memref<4096xi32, #tpu.memory_space<vmem>>
      %dma_wait3A_83 = arith.constant 0 : i32
      %dma_wait3A_84 = tpu.memref_slice %arg4[%dma_wait3A_83] : memref<327680xi32, #tpu.memory_space<hbm>> -> memref<4096xi32, #tpu.memory_space<hbm>>
      tpu.wait_dma2 semaphore(%arg13 : memref<!tpu.dma_semaphore, #tpu.memory_space<semaphore_mem>>) src(%dma_wait3A_84 : memref<4096xi32, #tpu.memory_space<hbm>>) dst(%dma_wait3A_82 : memref<4096xi32, #tpu.memory_space<vmem>>)
      %add3A_85 = arith.constant 1 : i32
      %add3A_86 = arith.addi %mul3A_49, %add3A_85 : i32
      %scan3A_87 = arith.constant 0 : i32
      %scan3A_88 = arith.constant 0 : i32
      %scan3A_89 = arith.constant 128 : i32
      %scan3A_90 = arith.addi %scan3A_88, %scan3A_89 : i32
      %scan3A_91 = arith.constant 1 : i32
      scf.for %scan3A_100 = %scan3A_88 to %scan3A_90 step %scan3A_91  : i32 {
        %mul3A_101 = arith.constant 32 : i32
        %mul3A_102 = arith.muli %scan3A_100, %mul3A_101 : i32
        %add3A_103 = arith.constant 0 : i32
        %add3A_104 = arith.addi %mul3A_102, %add3A_103 : i32
        %get3A = arith.constant 1 : i32
        %get3A_105 = arith.index_cast %get3A : i32 to index
        %get3A_106 = arith.index_cast %add3A_104 : i32 to index
        %get3A_107 = tpu.vector_load %arg8[%get3A_105, %get3A_106] {strides = array<i32>} : memref<2x4096xi32, #tpu.memory_space<vmem>>, vector<16xi32>,
        %mul3A_108 = arith.constant 32 : i32
        %mul3A_109 = arith.muli %scan3A_100, %mul3A_108 : i32
        %add3A_110 = arith.constant 0 : i32
        %add3A_111 = arith.addi %mul3A_109, %add3A_110 : i32
        %get3A_112 = arith.constant 1 : i32
        %get3A_113 = arith.index_cast %get3A_112 : i32 to index
        %get3A_114 = arith.index_cast %add3A_111 : i32 to index
        %get3A_115 = tpu.vector_load %arg9[%get3A_113, %get3A_114] {strides = array<i32>} : memref<2x4096xi32, #tpu.memory_space<vmem>>, vector<16xi32>,
        %add3A_116 = arith.addi %get3A_107, %broadcast_in_dim3A_32 : vector<16xi32>
        %gather3A = tpu.vector_load_idx %arg6[%add3A_116] : memref<40960xf32, #tpu.memory_space<vmem>>[vector<16xi32>], vector<16xf32>,
        %add3A_117 = arith.addi %get3A_115, %broadcast_in_dim3A_32 : vector<16xi32>
        tpu.vector_store_idx %arg7[%add3A_117], %gather3A {add = true} : memref<40960xf32, #tpu.memory_space<vmem>>[vector<16xi32>], vector<16xf32>,
        %add3A_118 = arith.addi %get3A_107, %broadcast_in_dim3A_34 : vector<16xi32>
        %gather3A_119 = tpu.vector_load_idx %arg6[%add3A_118] : memref<40960xf32, #tpu.memory_space<vmem>>[vector<16xi32>], vector<16xf32>,
        %add3A_120 = arith.addi %get3A_115, %broadcast_in_dim3A_34 : vector<16xi32>
        tpu.vector_store_idx %arg7[%add3A_120], %gather3A_119 {add = true} : memref<40960xf32, #tpu.memory_space<vmem>>[vector<16xi32>], vector<16xf32>,
        %add3A_121 = arith.addi %get3A_107, %broadcast_in_dim3A_36 : vector<16xi32>
        %gather3A_122 = tpu.vector_load_idx %arg6[%add3A_121] : memref<40960xf32, #tpu.memory_space<vmem>>[vector<16xi32>], vector<16xf32>,
        %add3A_123 = arith.addi %get3A_115, %broadcast_in_dim3A_36 : vector<16xi32>
        tpu.vector_store_idx %arg7[%add3A_123], %gather3A_122 {add = true} : memref<40960xf32, #tpu.memory_space<vmem>>[vector<16xi32>], vector<16xf32>,
        %add3A_124 = arith.addi %get3A_107, %broadcast_in_dim3A_38 : vector<16xi32>
        %gather3A_125 = tpu.vector_load_idx %arg6[%add3A_124] : memref<40960xf32, #tpu.memory_space<vmem>>[vector<16xi32>], vector<16xf32>,
        %add3A_126 = arith.addi %get3A_115, %broadcast_in_dim3A_38 : vector<16xi32>
        tpu.vector_store_idx %arg7[%add3A_126], %gather3A_125 {add = true} : memref<40960xf32, #tpu.memory_space<vmem>>[vector<16xi32>], vector<16xf32>,
        %mul3A_127 = arith.constant 32 : i32
        %mul3A_128 = arith.muli %scan3A_100, %mul3A_127 : i32
        %add3A_129 = arith.constant 16 : i32
        %add3A_130 = arith.addi %mul3A_128, %add3A_129 : i32
        %get3A_131 = arith.constant 1 : i32
        %get3A_132 = arith.index_cast %get3A_131 : i32 to index
        %get3A_133 = arith.index_cast %add3A_130 : i32 to index
        %get3A_134 = tpu.vector_load %arg8[%get3A_132, %get3A_133] {strides = array<i32>} : memref<2x4096xi32, #tpu.memory_space<vmem>>, vector<16xi32>,
        %mul3A_135 = arith.constant 32 : i32
        %mul3A_136 = arith.muli %scan3A_100, %mul3A_135 : i32
        %add3A_137 = arith.constant 16 : i32
        %add3A_138 = arith.addi %mul3A_136, %add3A_137 : i32
        %get3A_139 = arith.constant 1 : i32
        %get3A_140 = arith.index_cast %get3A_139 : i32 to index
        %get3A_141 = arith.index_cast %add3A_138 : i32 to index
        %get3A_142 = tpu.vector_load %arg9[%get3A_140, %get3A_141] {strides = array<i32>} : memref<2x4096xi32, #tpu.memory_space<vmem>>, vector<16xi32>,
        %add3A_143 = arith.addi %get3A_134, %broadcast_in_dim3A_32 : vector<16xi32>
        %gather3A_144 = tpu.vector_load_idx %arg6[%add3A_143] : memref<40960xf32, #tpu.memory_space<vmem>>[vector<16xi32>], vector<16xf32>,
        %add3A_145 = arith.addi %get3A_142, %broadcast_in_dim3A_32 : vector<16xi32>
        tpu.vector_store_idx %arg7[%add3A_145], %gather3A_144 {add = true} : memref<40960xf32, #tpu.memory_space<vmem>>[vector<16xi32>], vector<16xf32>,
        %add3A_146 = arith.addi %get3A_134, %broadcast_in_dim3A_34 : vector<16xi32>
        %gather3A_147 = tpu.vector_load_idx %arg6[%add3A_146] : memref<40960xf32, #tpu.memory_space<vmem>>[vector<16xi32>], vector<16xf32>,
        %add3A_148 = arith.addi %get3A_142, %broadcast_in_dim3A_34 : vector<16xi32>
        tpu.vector_store_idx %arg7[%add3A_148], %gather3A_147 {add = true} : memref<40960xf32, #tpu.memory_space<vmem>>[vector<16xi32>], vector<16xf32>,
        %add3A_149 = arith.addi %get3A_134, %broadcast_in_dim3A_36 : vector<16xi32>
        %gather3A_150 = tpu.vector_load_idx %arg6[%add3A_149] : memref<40960xf32, #tpu.memory_space<vmem>>[vector<16xi32>], vector<16xf32>,
        %add3A_151 = arith.addi %get3A_142, %broadcast_in_dim3A_36 : vector<16xi32>
        tpu.vector_store_idx %arg7[%add3A_151], %gather3A_150 {add = true} : memref<40960xf32, #tpu.memory_space<vmem>>[vector<16xi32>], vector<16xf32>,
        %add3A_152 = arith.addi %get3A_134, %broadcast_in_dim3A_38 : vector<16xi32>
        %gather3A_153 = tpu.vector_load_idx %arg6[%add3A_152] : memref<40960xf32, #tpu.memory_space<vmem>>[vector<16xi32>], vector<16xf32>,
        %add3A_154 = arith.addi %get3A_142, %broadcast_in_dim3A_38 : vector<16xi32>
        tpu.vector_store_idx %arg7[%add3A_154], %gather3A_153 {add = true} : memref<40960xf32, #tpu.memory_space<vmem>>[vector<16xi32>], vector<16xf32>,
      }
      %scan3A_92 = arith.constant 128 : i32
      %add3A_93 = arith.constant 2 : i32
      %add3A_94 = arith.addi %add3A_86, %add3A_93 : i32
      %lt3A_95 = arith.constant 80 : i32
      %lt3A_96 = arith.cmpi slt, %add3A_94, %lt3A_95 : i32
      %convert_element_type3A_97 = arith.extui %lt3A_96 : i1 to i32
      %cond3A_98 = arith.constant 0 : i32
      %cond3A_99 = arith.cmpi ne, %convert_element_type3A_97, %cond3A_98 : i32
      scf.if %cond3A_99 {
        %add3A_100 = arith.constant 2 : i32
        %add3A_101 = arith.addi %add3A_86, %add3A_100 : i32
        %mul3A_102 = arith.constant 4096 : i32
        %mul3A_103 = arith.muli %add3A_101, %mul3A_102 : i32
        %dma_start3A_104 = arith.constant 1 : i32
        %dma_start3A_105 = arith.constant 0 : i32
        %dma_start3A_106 = tpu.memref_slice %arg8[%dma_start3A_104, %dma_start3A_105] : memref<2x4096xi32, #tpu.memory_space<vmem>> -> memref<1x4096xi32, #tpu.memory_space<vmem>>
        %dma_start3A_107 = tpu.memref_squeeze %dma_start3A_106 : memref<1x4096xi32, #tpu.memory_space<vmem>> -> memref<4096xi32, #tpu.memory_space<vmem>>
        %dma_start3A_108 = tpu.memref_slice %arg3[%mul3A_103] : memref<327680xi32, #tpu.memory_space<hbm>> -> memref<4096xi32, #tpu.memory_space<hbm>>
        %dma_start3A_109 = arith.constant 0 : i32
        %dma_start3A_110 = tpu.memref_slice %arg8[%dma_start3A_104, %dma_start3A_109] : memref<2x4096xi32, #tpu.memory_space<vmem>> -> memref<1x4096xi32, #tpu.memory_space<vmem>>
        %dma_start3A_111 = tpu.memref_squeeze %dma_start3A_110 : memref<1x4096xi32, #tpu.memory_space<vmem>> -> memref<4096xi32, #tpu.memory_space<vmem>>
        %dma_start3A_112 = tpu.memref_slice %arg3[%mul3A_103] : memref<327680xi32, #tpu.memory_space<hbm>> -> memref<4096xi32, #tpu.memory_space<hbm>>
        tpu.enqueue_dma source(%dma_start3A_112 : memref<4096xi32, #tpu.memory_space<hbm>>) target(%dma_start3A_111 : memref<4096xi32, #tpu.memory_space<vmem>>) target_semaphore(%arg11 : memref<!tpu.dma_semaphore, #tpu.memory_space<semaphore_mem>>)
        %add3A_113 = arith.constant 2 : i32
        %add3A_114 = arith.addi %add3A_86, %add3A_113 : i32
        %mul3A_115 = arith.constant 4096 : i32
        %mul3A_116 = arith.muli %add3A_114, %mul3A_115 : i32
        %dma_start3A_117 = arith.constant 1 : i32
        %dma_start3A_118 = arith.constant 0 : i32
        %dma_start3A_119 = tpu.memref_slice %arg9[%dma_start3A_117, %dma_start3A_118] : memref<2x4096xi32, #tpu.memory_space<vmem>> -> memref<1x4096xi32, #tpu.memory_space<vmem>>
        %dma_start3A_120 = tpu.memref_squeeze %dma_start3A_119 : memref<1x4096xi32, #tpu.memory_space<vmem>> -> memref<4096xi32, #tpu.memory_space<vmem>>
        %dma_start3A_121 = tpu.memref_slice %arg4[%mul3A_116] : memref<327680xi32, #tpu.memory_space<hbm>> -> memref<4096xi32, #tpu.memory_space<hbm>>
        %dma_start3A_122 = arith.constant 0 : i32
        %dma_start3A_123 = tpu.memref_slice %arg9[%dma_start3A_117, %dma_start3A_122] : memref<2x4096xi32, #tpu.memory_space<vmem>> -> memref<1x4096xi32, #tpu.memory_space<vmem>>
        %dma_start3A_124 = tpu.memref_squeeze %dma_start3A_123 : memref<1x4096xi32, #tpu.memory_space<vmem>> -> memref<4096xi32, #tpu.memory_space<vmem>>
        %dma_start3A_125 = tpu.memref_slice %arg4[%mul3A_116] : memref<327680xi32, #tpu.memory_space<hbm>> -> memref<4096xi32, #tpu.memory_space<hbm>>
        tpu.enqueue_dma source(%dma_start3A_125 : memref<4096xi32, #tpu.memory_space<hbm>>) target(%dma_start3A_124 : memref<4096xi32, #tpu.memory_space<vmem>>) target_semaphore(%arg13 : memref<!tpu.dma_semaphore, #tpu.memory_space<semaphore_mem>>)
      } else {
      }
    }
    %scan3A_44 = arith.constant 40 : i32
    %mul3A_45 = arith.constant 40960 : i32
    %mul3A_46 = arith.muli %add3A, %mul3A_45 : i32
    "tpu.region"() ({
      %run_scoped3A_47 = tpu.sem_alloc : memref<!tpu.dma_semaphore, #tpu.memory_space<semaphore_mem>>
      %dma_start3A_48 = tpu.memref_slice %arg5[%mul3A_46] : memref<1310720xf32, #tpu.memory_space<hbm>> -> memref<40960xf32, #tpu.memory_space<hbm>>
      %dma_start3A_49 = tpu.memref_slice %arg5[%mul3A_46] : memref<1310720xf32, #tpu.memory_space<hbm>> -> memref<40960xf32, #tpu.memory_space<hbm>>
      tpu.enqueue_dma source(%arg7 : memref<40960xf32, #tpu.memory_space<vmem>>) target(%dma_start3A_49 : memref<40960xf32, #tpu.memory_space<hbm>>) target_semaphore(%run_scoped3A_47 : memref<!tpu.dma_semaphore, #tpu.memory_space<semaphore_mem>>)
      %dma_wait3A = tpu.memref_slice %arg5[%mul3A_46] : memref<1310720xf32, #tpu.memory_space<hbm>> -> memref<40960xf32, #tpu.memory_space<hbm>>
      %dma_wait3A_50 = tpu.memref_slice %arg5[%mul3A_46] : memref<1310720xf32, #tpu.memory_space<hbm>> -> memref<40960xf32, #tpu.memory_space<hbm>>
      tpu.wait_dma2 semaphore(%run_scoped3A_47 : memref<!tpu.dma_semaphore, #tpu.memory_space<semaphore_mem>>) src(%arg7 : memref<40960xf32, #tpu.memory_space<vmem>>) dst(%dma_wait3A_50 : memref<40960xf32, #tpu.memory_space<hbm>>)
      tpu.yield
    }) : () -> ()
    return
  }
}

#map = affine_map<(d0, d1) -> (0)>
module attributes {stable_mosaic.version = 14 : i64} {
  func.func @_msg_call(%arg0: i32, %arg1: i32, %arg2: memref<1310720xf32, #tpu.memory_space<hbm>>, %arg3: memref<327680xi32, #tpu.memory_space<hbm>>, %arg4: memref<327680xi32, #tpu.memory_space<hbm>>, %arg5: memref<1310720xf32, #tpu.memory_space<hbm>>, %arg6: memref<40960xf32, #tpu.memory_space<vmem>>, %arg7: memref<40960xf32, #tpu.memory_space<vmem>>, %arg8: memref<2x4096xi32, #tpu.memory_space<vmem>>, %arg9: memref<2x4096xi32, #tpu.memory_space<vmem>>, %arg10: memref<!tpu.dma_semaphore, #tpu.memory_space<semaphore_mem>>, %arg11: memref<!tpu.dma_semaphore, #tpu.memory_space<semaphore_mem>>, %arg12: memref<!tpu.dma_semaphore, #tpu.memory_space<semaphore_mem>>, %arg13: memref<!tpu.dma_semaphore, #tpu.memory_space<semaphore_mem>>) attributes {dimension_semantics = [#tpu.dimension_semantics<core_parallel>, #tpu.dimension_semantics<subcore_parallel>], iteration_bounds = array<i64: 2, 16>, scalar_prefetch = 0 : i64, scratch_operands = 8 : i64, tpu.core_type = #tpu.core_type<sc_vector_subcore>, window_params = [{transform_indices = #map}, {transform_indices = #map}, {transform_indices = #map}, {transform_indices = #map}]} {
    %mul3A = arith.constant 16 : i32
    %mul3A_0 = arith.muli %arg0, %mul3A : i32
    %add3A = arith.addi %mul3A_0, %arg1 : i32
    %broadcast_in_dim3A = arith.constant 0.000000e+00 : f32
    %broadcast_in_dim3A_1 = vector.broadcast %broadcast_in_dim3A : f32 to vector<16xf32>
    %scan3A = arith.constant 0 : i32
    %scan3A_2 = arith.constant 0 : i32
    %scan3A_3 = arith.constant 2560 : i32
    %scan3A_4 = arith.addi %scan3A_2, %scan3A_3 : i32
    %scan3A_5 = arith.constant 1 : i32
    scf.for %scan3A_47 = %scan3A_2 to %scan3A_4 step %scan3A_5  : i32 {
      %mul3A_48 = arith.constant 16 : i32
      %mul3A_49 = arith.muli %scan3A_47, %mul3A_48 : i32
      %swap3A = arith.index_cast %mul3A_49 : i32 to index
      %swap3A_50 = tpu.vector_load %arg7[%swap3A] {strides = array<i32>} : memref<40960xf32, #tpu.memory_space<vmem>>, vector<16xf32>,
      tpu.vector_store %arg7[%swap3A], %broadcast_in_dim3A_1 {strides = array<i32>} : memref<40960xf32, #tpu.memory_space<vmem>>, vector<16xf32>,
    }
    %scan3A_6 = arith.constant 2560 : i32
    %mul3A_7 = arith.constant 40960 : i32
    %mul3A_8 = arith.muli %add3A, %mul3A_7 : i32
    "tpu.region"() ({
      %run_scoped3A_47 = tpu.sem_alloc : memref<!tpu.dma_semaphore, #tpu.memory_space<semaphore_mem>>
      %dma_start3A_48 = tpu.memref_slice %arg2[%mul3A_8] : memref<1310720xf32, #tpu.memory_space<hbm>> -> memref<40960xf32, #tpu.memory_space<hbm>>
      %dma_start3A_49 = tpu.memref_slice %arg2[%mul3A_8] : memref<1310720xf32, #tpu.memory_space<hbm>> -> memref<40960xf32, #tpu.memory_space<hbm>>
      tpu.enqueue_dma source(%dma_start3A_49 : memref<40960xf32, #tpu.memory_space<hbm>>) target(%arg6 : memref<40960xf32, #tpu.memory_space<vmem>>) target_semaphore(%run_scoped3A_47 : memref<!tpu.dma_semaphore, #tpu.memory_space<semaphore_mem>>)
      %dma_wait3A = tpu.memref_slice %arg2[%mul3A_8] : memref<1310720xf32, #tpu.memory_space<hbm>> -> memref<40960xf32, #tpu.memory_space<hbm>>
      %dma_wait3A_50 = tpu.memref_slice %arg2[%mul3A_8] : memref<1310720xf32, #tpu.memory_space<hbm>> -> memref<40960xf32, #tpu.memory_space<hbm>>
      tpu.wait_dma2 semaphore(%run_scoped3A_47 : memref<!tpu.dma_semaphore, #tpu.memory_space<semaphore_mem>>) src(%dma_wait3A_50 : memref<40960xf32, #tpu.memory_space<hbm>>) dst(%arg6 : memref<40960xf32, #tpu.memory_space<vmem>>)
      tpu.yield
    }) : () -> ()
    %run_scoped3A = arith.constant 0 : i32
    "tpu.region"() ({
      %run_scoped3A_47 = tpu.sem_alloc : memref<!tpu.dma_semaphore, #tpu.memory_space<semaphore_mem>>
      %dma_start3A_48 = arith.constant 0 : i32
      %dma_start3A_49 = tpu.memref_slice %arg8[%run_scoped3A, %dma_start3A_48] : memref<2x4096xi32, #tpu.memory_space<vmem>> -> memref<1x4096xi32, #tpu.memory_space<vmem>>
      %dma_start3A_50 = tpu.memref_squeeze %dma_start3A_49 : memref<1x4096xi32, #tpu.memory_space<vmem>> -> memref<4096xi32, #tpu.memory_space<vmem>>
      %dma_start3A_51 = arith.constant 0 : i32
      %dma_start3A_52 = tpu.memref_slice %arg3[%dma_start3A_51] : memref<327680xi32, #tpu.memory_space<hbm>> -> memref<4096xi32, #tpu.memory_space<hbm>>
      %dma_start3A_53 = arith.constant 0 : i32
      %dma_start3A_54 = tpu.memref_slice %arg8[%run_scoped3A, %dma_start3A_53] : memref<2x4096xi32, #tpu.memory_space<vmem>> -> memref<1x4096xi32, #tpu.memory_space<vmem>>
      %dma_start3A_55 = tpu.memref_squeeze %dma_start3A_54 : memref<1x4096xi32, #tpu.memory_space<vmem>> -> memref<4096xi32, #tpu.memory_space<vmem>>
      %dma_start3A_56 = arith.constant 0 : i32
      %dma_start3A_57 = tpu.memref_slice %arg3[%dma_start3A_56] : memref<327680xi32, #tpu.memory_space<hbm>> -> memref<4096xi32, #tpu.memory_space<hbm>>
      tpu.enqueue_dma source(%dma_start3A_57 : memref<4096xi32, #tpu.memory_space<hbm>>) target(%dma_start3A_55 : memref<4096xi32, #tpu.memory_space<vmem>>) target_semaphore(%run_scoped3A_47 : memref<!tpu.dma_semaphore, #tpu.memory_space<semaphore_mem>>)
      %dma_wait3A = arith.constant 0 : i32
      %dma_wait3A_58 = tpu.memref_slice %arg8[%run_scoped3A, %dma_wait3A] : memref<2x4096xi32, #tpu.memory_space<vmem>> -> memref<1x4096xi32, #tpu.memory_space<vmem>>
      %dma_wait3A_59 = tpu.memref_squeeze %dma_wait3A_58 : memref<1x4096xi32, #tpu.memory_space<vmem>> -> memref<4096xi32, #tpu.memory_space<vmem>>
      %dma_wait3A_60 = arith.constant 0 : i32
      %dma_wait3A_61 = tpu.memref_slice %arg3[%dma_wait3A_60] : memref<327680xi32, #tpu.memory_space<hbm>> -> memref<4096xi32, #tpu.memory_space<hbm>>
      %dma_wait3A_62 = arith.constant 0 : i32
      %dma_wait3A_63 = tpu.memref_slice %arg8[%run_scoped3A, %dma_wait3A_62] : memref<2x4096xi32, #tpu.memory_space<vmem>> -> memref<1x4096xi32, #tpu.memory_space<vmem>>
      %dma_wait3A_64 = tpu.memref_squeeze %dma_wait3A_63 : memref<1x4096xi32, #tpu.memory_space<vmem>> -> memref<4096xi32, #tpu.memory_space<vmem>>
      %dma_wait3A_65 = arith.constant 0 : i32
      %dma_wait3A_66 = tpu.memref_slice %arg3[%dma_wait3A_65] : memref<327680xi32, #tpu.memory_space<hbm>> -> memref<4096xi32, #tpu.memory_space<hbm>>
      tpu.wait_dma2 semaphore(%run_scoped3A_47 : memref<!tpu.dma_semaphore, #tpu.memory_space<semaphore_mem>>) src(%dma_wait3A_66 : memref<4096xi32, #tpu.memory_space<hbm>>) dst(%dma_wait3A_64 : memref<4096xi32, #tpu.memory_space<vmem>>)
      tpu.yield
    }) : () -> ()
    %run_scoped3A_9 = arith.constant 0 : i32
    "tpu.region"() ({
      %run_scoped3A_47 = tpu.sem_alloc : memref<!tpu.dma_semaphore, #tpu.memory_space<semaphore_mem>>
      %dma_start3A_48 = arith.constant 0 : i32
      %dma_start3A_49 = tpu.memref_slice %arg9[%run_scoped3A_9, %dma_start3A_48] : memref<2x4096xi32, #tpu.memory_space<vmem>> -> memref<1x4096xi32, #tpu.memory_space<vmem>>
      %dma_start3A_50 = tpu.memref_squeeze %dma_start3A_49 : memref<1x4096xi32, #tpu.memory_space<vmem>> -> memref<4096xi32, #tpu.memory_space<vmem>>
      %dma_start3A_51 = arith.constant 0 : i32
      %dma_start3A_52 = tpu.memref_slice %arg4[%dma_start3A_51] : memref<327680xi32, #tpu.memory_space<hbm>> -> memref<4096xi32, #tpu.memory_space<hbm>>
      %dma_start3A_53 = arith.constant 0 : i32
      %dma_start3A_54 = tpu.memref_slice %arg9[%run_scoped3A_9, %dma_start3A_53] : memref<2x4096xi32, #tpu.memory_space<vmem>> -> memref<1x4096xi32, #tpu.memory_space<vmem>>
      %dma_start3A_55 = tpu.memref_squeeze %dma_start3A_54 : memref<1x4096xi32, #tpu.memory_space<vmem>> -> memref<4096xi32, #tpu.memory_space<vmem>>
      %dma_start3A_56 = arith.constant 0 : i32
      %dma_start3A_57 = tpu.memref_slice %arg4[%dma_start3A_56] : memref<327680xi32, #tpu.memory_space<hbm>> -> memref<4096xi32, #tpu.memory_space<hbm>>
      tpu.enqueue_dma source(%dma_start3A_57 : memref<4096xi32, #tpu.memory_space<hbm>>) target(%dma_start3A_55 : memref<4096xi32, #tpu.memory_space<vmem>>) target_semaphore(%run_scoped3A_47 : memref<!tpu.dma_semaphore, #tpu.memory_space<semaphore_mem>>)
      %dma_wait3A = arith.constant 0 : i32
      %dma_wait3A_58 = tpu.memref_slice %arg9[%run_scoped3A_9, %dma_wait3A] : memref<2x4096xi32, #tpu.memory_space<vmem>> -> memref<1x4096xi32, #tpu.memory_space<vmem>>
      %dma_wait3A_59 = tpu.memref_squeeze %dma_wait3A_58 : memref<1x4096xi32, #tpu.memory_space<vmem>> -> memref<4096xi32, #tpu.memory_space<vmem>>
      %dma_wait3A_60 = arith.constant 0 : i32
      %dma_wait3A_61 = tpu.memref_slice %arg4[%dma_wait3A_60] : memref<327680xi32, #tpu.memory_space<hbm>> -> memref<4096xi32, #tpu.memory_space<hbm>>
      %dma_wait3A_62 = arith.constant 0 : i32
      %dma_wait3A_63 = tpu.memref_slice %arg9[%run_scoped3A_9, %dma_wait3A_62] : memref<2x4096xi32, #tpu.memory_space<vmem>> -> memref<1x4096xi32, #tpu.memory_space<vmem>>
      %dma_wait3A_64 = tpu.memref_squeeze %dma_wait3A_63 : memref<1x4096xi32, #tpu.memory_space<vmem>> -> memref<4096xi32, #tpu.memory_space<vmem>>
      %dma_wait3A_65 = arith.constant 0 : i32
      %dma_wait3A_66 = tpu.memref_slice %arg4[%dma_wait3A_65] : memref<327680xi32, #tpu.memory_space<hbm>> -> memref<4096xi32, #tpu.memory_space<hbm>>
      tpu.wait_dma2 semaphore(%run_scoped3A_47 : memref<!tpu.dma_semaphore, #tpu.memory_space<semaphore_mem>>) src(%dma_wait3A_66 : memref<4096xi32, #tpu.memory_space<hbm>>) dst(%dma_wait3A_64 : memref<4096xi32, #tpu.memory_space<vmem>>)
      tpu.yield
    }) : () -> ()
    %dma_start3A = arith.constant 1 : i32
    %dma_start3A_10 = arith.constant 0 : i32
    %dma_start3A_11 = tpu.memref_slice %arg8[%dma_start3A, %dma_start3A_10] : memref<2x4096xi32, #tpu.memory_space<vmem>> -> memref<1x4096xi32, #tpu.memory_space<vmem>>
    %dma_start3A_12 = tpu.memref_squeeze %dma_start3A_11 : memref<1x4096xi32, #tpu.memory_space<vmem>> -> memref<4096xi32, #tpu.memory_space<vmem>>
    %dma_start3A_13 = arith.constant 4096 : i32
    %dma_start3A_14 = tpu.memref_slice %arg3[%dma_start3A_13] : memref<327680xi32, #tpu.memory_space<hbm>> -> memref<4096xi32, #tpu.memory_space<hbm>>
    %dma_start3A_15 = arith.constant 0 : i32
    %dma_start3A_16 = tpu.memref_slice %arg8[%dma_start3A, %dma_start3A_15] : memref<2x4096xi32, #tpu.memory_space<vmem>> -> memref<1x4096xi32, #tpu.memory_space<vmem>>
    %dma_start3A_17 = tpu.memref_squeeze %dma_start3A_16 : memref<1x4096xi32, #tpu.memory_space<vmem>> -> memref<4096xi32, #tpu.memory_space<vmem>>
    %dma_start3A_18 = arith.constant 4096 : i32
    %dma_start3A_19 = tpu.memref_slice %arg3[%dma_start3A_18] : memref<327680xi32, #tpu.memory_space<hbm>> -> memref<4096xi32, #tpu.memory_space<hbm>>
    tpu.enqueue_dma source(%dma_start3A_19 : memref<4096xi32, #tpu.memory_space<hbm>>) target(%dma_start3A_17 : memref<4096xi32, #tpu.memory_space<vmem>>) target_semaphore(%arg11 : memref<!tpu.dma_semaphore, #tpu.memory_space<semaphore_mem>>)
    %dma_start3A_20 = arith.constant 1 : i32
    %dma_start3A_21 = arith.constant 0 : i32
    %dma_start3A_22 = tpu.memref_slice %arg9[%dma_start3A_20, %dma_start3A_21] : memref<2x4096xi32, #tpu.memory_space<vmem>> -> memref<1x4096xi32, #tpu.memory_space<vmem>>
    %dma_start3A_23 = tpu.memref_squeeze %dma_start3A_22 : memref<1x4096xi32, #tpu.memory_space<vmem>> -> memref<4096xi32, #tpu.memory_space<vmem>>
    %dma_start3A_24 = arith.constant 4096 : i32
    %dma_start3A_25 = tpu.memref_slice %arg4[%dma_start3A_24] : memref<327680xi32, #tpu.memory_space<hbm>> -> memref<4096xi32, #tpu.memory_space<hbm>>
    %dma_start3A_26 = arith.constant 0 : i32
    %dma_start3A_27 = tpu.memref_slice %arg9[%dma_start3A_20, %dma_start3A_26] : memref<2x4096xi32, #tpu.memory_space<vmem>> -> memref<1x4096xi32, #tpu.memory_space<vmem>>
    %dma_start3A_28 = tpu.memref_squeeze %dma_start3A_27 : memref<1x4096xi32, #tpu.memory_space<vmem>> -> memref<4096xi32, #tpu.memory_space<vmem>>
    %dma_start3A_29 = arith.constant 4096 : i32
    %dma_start3A_30 = tpu.memref_slice %arg4[%dma_start3A_29] : memref<327680xi32, #tpu.memory_space<hbm>> -> memref<4096xi32, #tpu.memory_space<hbm>>
    tpu.enqueue_dma source(%dma_start3A_30 : memref<4096xi32, #tpu.memory_space<hbm>>) target(%dma_start3A_28 : memref<4096xi32, #tpu.memory_space<vmem>>) target_semaphore(%arg13 : memref<!tpu.dma_semaphore, #tpu.memory_space<semaphore_mem>>)
    %broadcast_in_dim3A_31 = arith.constant 0 : i32
    %broadcast_in_dim3A_32 = vector.broadcast %broadcast_in_dim3A_31 : i32 to vector<16xi32>
    %broadcast_in_dim3A_33 = arith.constant 10240 : i32
    %broadcast_in_dim3A_34 = vector.broadcast %broadcast_in_dim3A_33 : i32 to vector<16xi32>
    %broadcast_in_dim3A_35 = arith.constant 20480 : i32
    %broadcast_in_dim3A_36 = vector.broadcast %broadcast_in_dim3A_35 : i32 to vector<16xi32>
    %broadcast_in_dim3A_37 = arith.constant 30720 : i32
    %broadcast_in_dim3A_38 = vector.broadcast %broadcast_in_dim3A_37 : i32 to vector<16xi32>
    %scan3A_39 = arith.constant 0 : i32
    %scan3A_40 = arith.constant 0 : i32
    %scan3A_41 = arith.constant 40 : i32
    %scan3A_42 = arith.addi %scan3A_40, %scan3A_41 : i32
    %scan3A_43 = arith.constant 1 : i32
    scf.for %scan3A_47 = %scan3A_40 to %scan3A_42 step %scan3A_43  : i32 {
      %mul3A_48 = arith.constant 2 : i32
      %mul3A_49 = arith.muli %mul3A_48, %scan3A_47 : i32
      %gt3A = arith.constant 0 : i32
      %gt3A_50 = arith.cmpi sgt, %mul3A_49, %gt3A : i32
      %convert_element_type3A = arith.extui %gt3A_50 : i1 to i32
      %cond3A = arith.constant 0 : i32
      %cond3A_51 = arith.cmpi ne, %convert_element_type3A, %cond3A : i32
      scf.if %cond3A_51 {
        %dma_wait3A_100 = arith.constant 0 : i32
        %dma_wait3A_101 = arith.constant 0 : i32
        %dma_wait3A_102 = tpu.memref_slice %arg8[%dma_wait3A_100, %dma_wait3A_101] : memref<2x4096xi32, #tpu.memory_space<vmem>> -> memref<1x4096xi32, #tpu.memory_space<vmem>>
        %dma_wait3A_103 = tpu.memref_squeeze %dma_wait3A_102 : memref<1x4096xi32, #tpu.memory_space<vmem>> -> memref<4096xi32, #tpu.memory_space<vmem>>
        %dma_wait3A_104 = arith.constant 0 : i32
        %dma_wait3A_105 = tpu.memref_slice %arg3[%dma_wait3A_104] : memref<327680xi32, #tpu.memory_space<hbm>> -> memref<4096xi32, #tpu.memory_space<hbm>>
        %dma_wait3A_106 = arith.constant 0 : i32
        %dma_wait3A_107 = tpu.memref_slice %arg8[%dma_wait3A_100, %dma_wait3A_106] : memref<2x4096xi32, #tpu.memory_space<vmem>> -> memref<1x4096xi32, #tpu.memory_space<vmem>>
        %dma_wait3A_108 = tpu.memref_squeeze %dma_wait3A_107 : memref<1x4096xi32, #tpu.memory_space<vmem>> -> memref<4096xi32, #tpu.memory_space<vmem>>
        %dma_wait3A_109 = arith.constant 0 : i32
        %dma_wait3A_110 = tpu.memref_slice %arg3[%dma_wait3A_109] : memref<327680xi32, #tpu.memory_space<hbm>> -> memref<4096xi32, #tpu.memory_space<hbm>>
        tpu.wait_dma2 semaphore(%arg10 : memref<!tpu.dma_semaphore, #tpu.memory_space<semaphore_mem>>) src(%dma_wait3A_110 : memref<4096xi32, #tpu.memory_space<hbm>>) dst(%dma_wait3A_108 : memref<4096xi32, #tpu.memory_space<vmem>>)
        %dma_wait3A_111 = arith.constant 0 : i32
        %dma_wait3A_112 = arith.constant 0 : i32
        %dma_wait3A_113 = tpu.memref_slice %arg9[%dma_wait3A_111, %dma_wait3A_112] : memref<2x4096xi32, #tpu.memory_space<vmem>> -> memref<1x4096xi32, #tpu.memory_space<vmem>>
        %dma_wait3A_114 = tpu.memref_squeeze %dma_wait3A_113 : memref<1x4096xi32, #tpu.memory_space<vmem>> -> memref<4096xi32, #tpu.memory_space<vmem>>
        %dma_wait3A_115 = arith.constant 0 : i32
        %dma_wait3A_116 = tpu.memref_slice %arg4[%dma_wait3A_115] : memref<327680xi32, #tpu.memory_space<hbm>> -> memref<4096xi32, #tpu.memory_space<hbm>>
        %dma_wait3A_117 = arith.constant 0 : i32
        %dma_wait3A_118 = tpu.memref_slice %arg9[%dma_wait3A_111, %dma_wait3A_117] : memref<2x4096xi32, #tpu.memory_space<vmem>> -> memref<1x4096xi32, #tpu.memory_space<vmem>>
        %dma_wait3A_119 = tpu.memref_squeeze %dma_wait3A_118 : memref<1x4096xi32, #tpu.memory_space<vmem>> -> memref<4096xi32, #tpu.memory_space<vmem>>
        %dma_wait3A_120 = arith.constant 0 : i32
        %dma_wait3A_121 = tpu.memref_slice %arg4[%dma_wait3A_120] : memref<327680xi32, #tpu.memory_space<hbm>> -> memref<4096xi32, #tpu.memory_space<hbm>>
        tpu.wait_dma2 semaphore(%arg12 : memref<!tpu.dma_semaphore, #tpu.memory_space<semaphore_mem>>) src(%dma_wait3A_121 : memref<4096xi32, #tpu.memory_space<hbm>>) dst(%dma_wait3A_119 : memref<4096xi32, #tpu.memory_space<vmem>>)
      } else {
      }
      %scan3A_52 = arith.constant 0 : i32
      %scan3A_53 = arith.constant 0 : i32
      %scan3A_54 = arith.constant 128 : i32
      %scan3A_55 = arith.addi %scan3A_53, %scan3A_54 : i32
      %scan3A_56 = arith.constant 1 : i32
      scf.for %scan3A_100 = %scan3A_53 to %scan3A_55 step %scan3A_56  : i32 {
        %mul3A_101 = arith.constant 32 : i32
        %mul3A_102 = arith.muli %scan3A_100, %mul3A_101 : i32
        %add3A_103 = arith.constant 0 : i32
        %add3A_104 = arith.addi %mul3A_102, %add3A_103 : i32
        %get3A = arith.constant 0 : i32
        %get3A_105 = arith.index_cast %get3A : i32 to index
        %get3A_106 = arith.index_cast %add3A_104 : i32 to index
        %get3A_107 = tpu.vector_load %arg8[%get3A_105, %get3A_106] {strides = array<i32>} : memref<2x4096xi32, #tpu.memory_space<vmem>>, vector<16xi32>,
        %mul3A_108 = arith.constant 32 : i32
        %mul3A_109 = arith.muli %scan3A_100, %mul3A_108 : i32
        %add3A_110 = arith.constant 0 : i32
        %add3A_111 = arith.addi %mul3A_109, %add3A_110 : i32
        %get3A_112 = arith.constant 0 : i32
        %get3A_113 = arith.index_cast %get3A_112 : i32 to index
        %get3A_114 = arith.index_cast %add3A_111 : i32 to index
        %get3A_115 = tpu.vector_load %arg9[%get3A_113, %get3A_114] {strides = array<i32>} : memref<2x4096xi32, #tpu.memory_space<vmem>>, vector<16xi32>,
        %add3A_116 = arith.addi %get3A_107, %broadcast_in_dim3A_32 : vector<16xi32>
        %gather3A = tpu.vector_load_idx %arg6[%add3A_116] : memref<40960xf32, #tpu.memory_space<vmem>>[vector<16xi32>], vector<16xf32>,
        %add3A_117 = arith.addi %get3A_115, %broadcast_in_dim3A_32 : vector<16xi32>
        tpu.vector_store_idx %arg7[%add3A_117], %gather3A {add = true} : memref<40960xf32, #tpu.memory_space<vmem>>[vector<16xi32>], vector<16xf32>,
        %add3A_118 = arith.addi %get3A_107, %broadcast_in_dim3A_34 : vector<16xi32>
        %gather3A_119 = tpu.vector_load_idx %arg6[%add3A_118] : memref<40960xf32, #tpu.memory_space<vmem>>[vector<16xi32>], vector<16xf32>,
        %add3A_120 = arith.addi %get3A_115, %broadcast_in_dim3A_34 : vector<16xi32>
        tpu.vector_store_idx %arg7[%add3A_120], %gather3A_119 {add = true} : memref<40960xf32, #tpu.memory_space<vmem>>[vector<16xi32>], vector<16xf32>,
        %add3A_121 = arith.addi %get3A_107, %broadcast_in_dim3A_36 : vector<16xi32>
        %gather3A_122 = tpu.vector_load_idx %arg6[%add3A_121] : memref<40960xf32, #tpu.memory_space<vmem>>[vector<16xi32>], vector<16xf32>,
        %add3A_123 = arith.addi %get3A_115, %broadcast_in_dim3A_36 : vector<16xi32>
        tpu.vector_store_idx %arg7[%add3A_123], %gather3A_122 {add = true} : memref<40960xf32, #tpu.memory_space<vmem>>[vector<16xi32>], vector<16xf32>,
        %add3A_124 = arith.addi %get3A_107, %broadcast_in_dim3A_38 : vector<16xi32>
        %gather3A_125 = tpu.vector_load_idx %arg6[%add3A_124] : memref<40960xf32, #tpu.memory_space<vmem>>[vector<16xi32>], vector<16xf32>,
        %add3A_126 = arith.addi %get3A_115, %broadcast_in_dim3A_38 : vector<16xi32>
        tpu.vector_store_idx %arg7[%add3A_126], %gather3A_125 {add = true} : memref<40960xf32, #tpu.memory_space<vmem>>[vector<16xi32>], vector<16xf32>,
        %mul3A_127 = arith.constant 32 : i32
        %mul3A_128 = arith.muli %scan3A_100, %mul3A_127 : i32
        %add3A_129 = arith.constant 16 : i32
        %add3A_130 = arith.addi %mul3A_128, %add3A_129 : i32
        %get3A_131 = arith.constant 0 : i32
        %get3A_132 = arith.index_cast %get3A_131 : i32 to index
        %get3A_133 = arith.index_cast %add3A_130 : i32 to index
        %get3A_134 = tpu.vector_load %arg8[%get3A_132, %get3A_133] {strides = array<i32>} : memref<2x4096xi32, #tpu.memory_space<vmem>>, vector<16xi32>,
        %mul3A_135 = arith.constant 32 : i32
        %mul3A_136 = arith.muli %scan3A_100, %mul3A_135 : i32
        %add3A_137 = arith.constant 16 : i32
        %add3A_138 = arith.addi %mul3A_136, %add3A_137 : i32
        %get3A_139 = arith.constant 0 : i32
        %get3A_140 = arith.index_cast %get3A_139 : i32 to index
        %get3A_141 = arith.index_cast %add3A_138 : i32 to index
        %get3A_142 = tpu.vector_load %arg9[%get3A_140, %get3A_141] {strides = array<i32>} : memref<2x4096xi32, #tpu.memory_space<vmem>>, vector<16xi32>,
        %add3A_143 = arith.addi %get3A_134, %broadcast_in_dim3A_32 : vector<16xi32>
        %gather3A_144 = tpu.vector_load_idx %arg6[%add3A_143] : memref<40960xf32, #tpu.memory_space<vmem>>[vector<16xi32>], vector<16xf32>,
        %add3A_145 = arith.addi %get3A_142, %broadcast_in_dim3A_32 : vector<16xi32>
        tpu.vector_store_idx %arg7[%add3A_145], %gather3A_144 {add = true} : memref<40960xf32, #tpu.memory_space<vmem>>[vector<16xi32>], vector<16xf32>,
        %add3A_146 = arith.addi %get3A_134, %broadcast_in_dim3A_34 : vector<16xi32>
        %gather3A_147 = tpu.vector_load_idx %arg6[%add3A_146] : memref<40960xf32, #tpu.memory_space<vmem>>[vector<16xi32>], vector<16xf32>,
        %add3A_148 = arith.addi %get3A_142, %broadcast_in_dim3A_34 : vector<16xi32>
        tpu.vector_store_idx %arg7[%add3A_148], %gather3A_147 {add = true} : memref<40960xf32, #tpu.memory_space<vmem>>[vector<16xi32>], vector<16xf32>,
        %add3A_149 = arith.addi %get3A_134, %broadcast_in_dim3A_36 : vector<16xi32>
        %gather3A_150 = tpu.vector_load_idx %arg6[%add3A_149] : memref<40960xf32, #tpu.memory_space<vmem>>[vector<16xi32>], vector<16xf32>,
        %add3A_151 = arith.addi %get3A_142, %broadcast_in_dim3A_36 : vector<16xi32>
        tpu.vector_store_idx %arg7[%add3A_151], %gather3A_150 {add = true} : memref<40960xf32, #tpu.memory_space<vmem>>[vector<16xi32>], vector<16xf32>,
        %add3A_152 = arith.addi %get3A_134, %broadcast_in_dim3A_38 : vector<16xi32>
        %gather3A_153 = tpu.vector_load_idx %arg6[%add3A_152] : memref<40960xf32, #tpu.memory_space<vmem>>[vector<16xi32>], vector<16xf32>,
        %add3A_154 = arith.addi %get3A_142, %broadcast_in_dim3A_38 : vector<16xi32>
        tpu.vector_store_idx %arg7[%add3A_154], %gather3A_153 {add = true} : memref<40960xf32, #tpu.memory_space<vmem>>[vector<16xi32>], vector<16xf32>,
      }
      %scan3A_57 = arith.constant 128 : i32
      %add3A_58 = arith.constant 2 : i32
      %add3A_59 = arith.addi %mul3A_49, %add3A_58 : i32
      %lt3A = arith.constant 80 : i32
      %lt3A_60 = arith.cmpi slt, %add3A_59, %lt3A : i32
      %convert_element_type3A_61 = arith.extui %lt3A_60 : i1 to i32
      %cond3A_62 = arith.constant 0 : i32
      %cond3A_63 = arith.cmpi ne, %convert_element_type3A_61, %cond3A_62 : i32
      scf.if %cond3A_63 {
        %add3A_100 = arith.constant 2 : i32
        %add3A_101 = arith.addi %mul3A_49, %add3A_100 : i32
        %mul3A_102 = arith.constant 4096 : i32
        %mul3A_103 = arith.muli %add3A_101, %mul3A_102 : i32
        %dma_start3A_104 = arith.constant 0 : i32
        %dma_start3A_105 = arith.constant 0 : i32
        %dma_start3A_106 = tpu.memref_slice %arg8[%dma_start3A_104, %dma_start3A_105] : memref<2x4096xi32, #tpu.memory_space<vmem>> -> memref<1x4096xi32, #tpu.memory_space<vmem>>
        %dma_start3A_107 = tpu.memref_squeeze %dma_start3A_106 : memref<1x4096xi32, #tpu.memory_space<vmem>> -> memref<4096xi32, #tpu.memory_space<vmem>>
        %dma_start3A_108 = tpu.memref_slice %arg3[%mul3A_103] : memref<327680xi32, #tpu.memory_space<hbm>> -> memref<4096xi32, #tpu.memory_space<hbm>>
        %dma_start3A_109 = arith.constant 0 : i32
        %dma_start3A_110 = tpu.memref_slice %arg8[%dma_start3A_104, %dma_start3A_109] : memref<2x4096xi32, #tpu.memory_space<vmem>> -> memref<1x4096xi32, #tpu.memory_space<vmem>>
        %dma_start3A_111 = tpu.memref_squeeze %dma_start3A_110 : memref<1x4096xi32, #tpu.memory_space<vmem>> -> memref<4096xi32, #tpu.memory_space<vmem>>
        %dma_start3A_112 = tpu.memref_slice %arg3[%mul3A_103] : memref<327680xi32, #tpu.memory_space<hbm>> -> memref<4096xi32, #tpu.memory_space<hbm>>
        tpu.enqueue_dma source(%dma_start3A_112 : memref<4096xi32, #tpu.memory_space<hbm>>) target(%dma_start3A_111 : memref<4096xi32, #tpu.memory_space<vmem>>) target_semaphore(%arg10 : memref<!tpu.dma_semaphore, #tpu.memory_space<semaphore_mem>>)
        %add3A_113 = arith.constant 2 : i32
        %add3A_114 = arith.addi %mul3A_49, %add3A_113 : i32
        %mul3A_115 = arith.constant 4096 : i32
        %mul3A_116 = arith.muli %add3A_114, %mul3A_115 : i32
        %dma_start3A_117 = arith.constant 0 : i32
        %dma_start3A_118 = arith.constant 0 : i32
        %dma_start3A_119 = tpu.memref_slice %arg9[%dma_start3A_117, %dma_start3A_118] : memref<2x4096xi32, #tpu.memory_space<vmem>> -> memref<1x4096xi32, #tpu.memory_space<vmem>>
        %dma_start3A_120 = tpu.memref_squeeze %dma_start3A_119 : memref<1x4096xi32, #tpu.memory_space<vmem>> -> memref<4096xi32, #tpu.memory_space<vmem>>
        %dma_start3A_121 = tpu.memref_slice %arg4[%mul3A_116] : memref<327680xi32, #tpu.memory_space<hbm>> -> memref<4096xi32, #tpu.memory_space<hbm>>
        %dma_start3A_122 = arith.constant 0 : i32
        %dma_start3A_123 = tpu.memref_slice %arg9[%dma_start3A_117, %dma_start3A_122] : memref<2x4096xi32, #tpu.memory_space<vmem>> -> memref<1x4096xi32, #tpu.memory_space<vmem>>
        %dma_start3A_124 = tpu.memref_squeeze %dma_start3A_123 : memref<1x4096xi32, #tpu.memory_space<vmem>> -> memref<4096xi32, #tpu.memory_space<vmem>>
        %dma_start3A_125 = tpu.memref_slice %arg4[%mul3A_116] : memref<327680xi32, #tpu.memory_space<hbm>> -> memref<4096xi32, #tpu.memory_space<hbm>>
        tpu.enqueue_dma source(%dma_start3A_125 : memref<4096xi32, #tpu.memory_space<hbm>>) target(%dma_start3A_124 : memref<4096xi32, #tpu.memory_space<vmem>>) target_semaphore(%arg12 : memref<!tpu.dma_semaphore, #tpu.memory_space<semaphore_mem>>)
      } else {
      }
      %dma_wait3A = arith.constant 1 : i32
      %dma_wait3A_64 = arith.constant 0 : i32
      %dma_wait3A_65 = tpu.memref_slice %arg8[%dma_wait3A, %dma_wait3A_64] : memref<2x4096xi32, #tpu.memory_space<vmem>> -> memref<1x4096xi32, #tpu.memory_space<vmem>>
      %dma_wait3A_66 = tpu.memref_squeeze %dma_wait3A_65 : memref<1x4096xi32, #tpu.memory_space<vmem>> -> memref<4096xi32, #tpu.memory_space<vmem>>
      %dma_wait3A_67 = arith.constant 0 : i32
      %dma_wait3A_68 = tpu.memref_slice %arg3[%dma_wait3A_67] : memref<327680xi32, #tpu.memory_space<hbm>> -> memref<4096xi32, #tpu.memory_space<hbm>>
      %dma_wait3A_69 = arith.constant 0 : i32
      %dma_wait3A_70 = tpu.memref_slice %arg8[%dma_wait3A, %dma_wait3A_69] : memref<2x4096xi32, #tpu.memory_space<vmem>> -> memref<1x4096xi32, #tpu.memory_space<vmem>>
      %dma_wait3A_71 = tpu.memref_squeeze %dma_wait3A_70 : memref<1x4096xi32, #tpu.memory_space<vmem>> -> memref<4096xi32, #tpu.memory_space<vmem>>
      %dma_wait3A_72 = arith.constant 0 : i32
      %dma_wait3A_73 = tpu.memref_slice %arg3[%dma_wait3A_72] : memref<327680xi32, #tpu.memory_space<hbm>> -> memref<4096xi32, #tpu.memory_space<hbm>>
      tpu.wait_dma2 semaphore(%arg11 : memref<!tpu.dma_semaphore, #tpu.memory_space<semaphore_mem>>) src(%dma_wait3A_73 : memref<4096xi32, #tpu.memory_space<hbm>>) dst(%dma_wait3A_71 : memref<4096xi32, #tpu.memory_space<vmem>>)
      %dma_wait3A_74 = arith.constant 1 : i32
      %dma_wait3A_75 = arith.constant 0 : i32
      %dma_wait3A_76 = tpu.memref_slice %arg9[%dma_wait3A_74, %dma_wait3A_75] : memref<2x4096xi32, #tpu.memory_space<vmem>> -> memref<1x4096xi32, #tpu.memory_space<vmem>>
      %dma_wait3A_77 = tpu.memref_squeeze %dma_wait3A_76 : memref<1x4096xi32, #tpu.memory_space<vmem>> -> memref<4096xi32, #tpu.memory_space<vmem>>
      %dma_wait3A_78 = arith.constant 0 : i32
      %dma_wait3A_79 = tpu.memref_slice %arg4[%dma_wait3A_78] : memref<327680xi32, #tpu.memory_space<hbm>> -> memref<4096xi32, #tpu.memory_space<hbm>>
      %dma_wait3A_80 = arith.constant 0 : i32
      %dma_wait3A_81 = tpu.memref_slice %arg9[%dma_wait3A_74, %dma_wait3A_80] : memref<2x4096xi32, #tpu.memory_space<vmem>> -> memref<1x4096xi32, #tpu.memory_space<vmem>>
      %dma_wait3A_82 = tpu.memref_squeeze %dma_wait3A_81 : memref<1x4096xi32, #tpu.memory_space<vmem>> -> memref<4096xi32, #tpu.memory_space<vmem>>
      %dma_wait3A_83 = arith.constant 0 : i32
      %dma_wait3A_84 = tpu.memref_slice %arg4[%dma_wait3A_83] : memref<327680xi32, #tpu.memory_space<hbm>> -> memref<4096xi32, #tpu.memory_space<hbm>>
      tpu.wait_dma2 semaphore(%arg13 : memref<!tpu.dma_semaphore, #tpu.memory_space<semaphore_mem>>) src(%dma_wait3A_84 : memref<4096xi32, #tpu.memory_space<hbm>>) dst(%dma_wait3A_82 : memref<4096xi32, #tpu.memory_space<vmem>>)
      %add3A_85 = arith.constant 1 : i32
      %add3A_86 = arith.addi %mul3A_49, %add3A_85 : i32
      %scan3A_87 = arith.constant 0 : i32
      %scan3A_88 = arith.constant 0 : i32
      %scan3A_89 = arith.constant 128 : i32
      %scan3A_90 = arith.addi %scan3A_88, %scan3A_89 : i32
      %scan3A_91 = arith.constant 1 : i32
      scf.for %scan3A_100 = %scan3A_88 to %scan3A_90 step %scan3A_91  : i32 {
        %mul3A_101 = arith.constant 32 : i32
        %mul3A_102 = arith.muli %scan3A_100, %mul3A_101 : i32
        %add3A_103 = arith.constant 0 : i32
        %add3A_104 = arith.addi %mul3A_102, %add3A_103 : i32
        %get3A = arith.constant 1 : i32
        %get3A_105 = arith.index_cast %get3A : i32 to index
        %get3A_106 = arith.index_cast %add3A_104 : i32 to index
        %get3A_107 = tpu.vector_load %arg8[%get3A_105, %get3A_106] {strides = array<i32>} : memref<2x4096xi32, #tpu.memory_space<vmem>>, vector<16xi32>,
        %mul3A_108 = arith.constant 32 : i32
        %mul3A_109 = arith.muli %scan3A_100, %mul3A_108 : i32
        %add3A_110 = arith.constant 0 : i32
        %add3A_111 = arith.addi %mul3A_109, %add3A_110 : i32
        %get3A_112 = arith.constant 1 : i32
        %get3A_113 = arith.index_cast %get3A_112 : i32 to index
        %get3A_114 = arith.index_cast %add3A_111 : i32 to index
        %get3A_115 = tpu.vector_load %arg9[%get3A_113, %get3A_114] {strides = array<i32>} : memref<2x4096xi32, #tpu.memory_space<vmem>>, vector<16xi32>,
        %add3A_116 = arith.addi %get3A_107, %broadcast_in_dim3A_32 : vector<16xi32>
        %gather3A = tpu.vector_load_idx %arg6[%add3A_116] : memref<40960xf32, #tpu.memory_space<vmem>>[vector<16xi32>], vector<16xf32>,
        %add3A_117 = arith.addi %get3A_115, %broadcast_in_dim3A_32 : vector<16xi32>
        tpu.vector_store_idx %arg7[%add3A_117], %gather3A {add = true} : memref<40960xf32, #tpu.memory_space<vmem>>[vector<16xi32>], vector<16xf32>,
        %add3A_118 = arith.addi %get3A_107, %broadcast_in_dim3A_34 : vector<16xi32>
        %gather3A_119 = tpu.vector_load_idx %arg6[%add3A_118] : memref<40960xf32, #tpu.memory_space<vmem>>[vector<16xi32>], vector<16xf32>,
        %add3A_120 = arith.addi %get3A_115, %broadcast_in_dim3A_34 : vector<16xi32>
        tpu.vector_store_idx %arg7[%add3A_120], %gather3A_119 {add = true} : memref<40960xf32, #tpu.memory_space<vmem>>[vector<16xi32>], vector<16xf32>,
        %add3A_121 = arith.addi %get3A_107, %broadcast_in_dim3A_36 : vector<16xi32>
        %gather3A_122 = tpu.vector_load_idx %arg6[%add3A_121] : memref<40960xf32, #tpu.memory_space<vmem>>[vector<16xi32>], vector<16xf32>,
        %add3A_123 = arith.addi %get3A_115, %broadcast_in_dim3A_36 : vector<16xi32>
        tpu.vector_store_idx %arg7[%add3A_123], %gather3A_122 {add = true} : memref<40960xf32, #tpu.memory_space<vmem>>[vector<16xi32>], vector<16xf32>,
        %add3A_124 = arith.addi %get3A_107, %broadcast_in_dim3A_38 : vector<16xi32>
        %gather3A_125 = tpu.vector_load_idx %arg6[%add3A_124] : memref<40960xf32, #tpu.memory_space<vmem>>[vector<16xi32>], vector<16xf32>,
        %add3A_126 = arith.addi %get3A_115, %broadcast_in_dim3A_38 : vector<16xi32>
        tpu.vector_store_idx %arg7[%add3A_126], %gather3A_125 {add = true} : memref<40960xf32, #tpu.memory_space<vmem>>[vector<16xi32>], vector<16xf32>,
        %mul3A_127 = arith.constant 32 : i32
        %mul3A_128 = arith.muli %scan3A_100, %mul3A_127 : i32
        %add3A_129 = arith.constant 16 : i32
        %add3A_130 = arith.addi %mul3A_128, %add3A_129 : i32
        %get3A_131 = arith.constant 1 : i32
        %get3A_132 = arith.index_cast %get3A_131 : i32 to index
        %get3A_133 = arith.index_cast %add3A_130 : i32 to index
        %get3A_134 = tpu.vector_load %arg8[%get3A_132, %get3A_133] {strides = array<i32>} : memref<2x4096xi32, #tpu.memory_space<vmem>>, vector<16xi32>,
        %mul3A_135 = arith.constant 32 : i32
        %mul3A_136 = arith.muli %scan3A_100, %mul3A_135 : i32
        %add3A_137 = arith.constant 16 : i32
        %add3A_138 = arith.addi %mul3A_136, %add3A_137 : i32
        %get3A_139 = arith.constant 1 : i32
        %get3A_140 = arith.index_cast %get3A_139 : i32 to index
        %get3A_141 = arith.index_cast %add3A_138 : i32 to index
        %get3A_142 = tpu.vector_load %arg9[%get3A_140, %get3A_141] {strides = array<i32>} : memref<2x4096xi32, #tpu.memory_space<vmem>>, vector<16xi32>,
        %add3A_143 = arith.addi %get3A_134, %broadcast_in_dim3A_32 : vector<16xi32>
        %gather3A_144 = tpu.vector_load_idx %arg6[%add3A_143] : memref<40960xf32, #tpu.memory_space<vmem>>[vector<16xi32>], vector<16xf32>,
        %add3A_145 = arith.addi %get3A_142, %broadcast_in_dim3A_32 : vector<16xi32>
        tpu.vector_store_idx %arg7[%add3A_145], %gather3A_144 {add = true} : memref<40960xf32, #tpu.memory_space<vmem>>[vector<16xi32>], vector<16xf32>,
        %add3A_146 = arith.addi %get3A_134, %broadcast_in_dim3A_34 : vector<16xi32>
        %gather3A_147 = tpu.vector_load_idx %arg6[%add3A_146] : memref<40960xf32, #tpu.memory_space<vmem>>[vector<16xi32>], vector<16xf32>,
        %add3A_148 = arith.addi %get3A_142, %broadcast_in_dim3A_34 : vector<16xi32>
        tpu.vector_store_idx %arg7[%add3A_148], %gather3A_147 {add = true} : memref<40960xf32, #tpu.memory_space<vmem>>[vector<16xi32>], vector<16xf32>,
        %add3A_149 = arith.addi %get3A_134, %broadcast_in_dim3A_36 : vector<16xi32>
        %gather3A_150 = tpu.vector_load_idx %arg6[%add3A_149] : memref<40960xf32, #tpu.memory_space<vmem>>[vector<16xi32>], vector<16xf32>,
        %add3A_151 = arith.addi %get3A_142, %broadcast_in_dim3A_36 : vector<16xi32>
        tpu.vector_store_idx %arg7[%add3A_151], %gather3A_150 {add = true} : memref<40960xf32, #tpu.memory_space<vmem>>[vector<16xi32>], vector<16xf32>,
        %add3A_152 = arith.addi %get3A_134, %broadcast_in_dim3A_38 : vector<16xi32>
        %gather3A_153 = tpu.vector_load_idx %arg6[%add3A_152] : memref<40960xf32, #tpu.memory_space<vmem>>[vector<16xi32>], vector<16xf32>,
        %add3A_154 = arith.addi %get3A_142, %broadcast_in_dim3A_38 : vector<16xi32>
        tpu.vector_store_idx %arg7[%add3A_154], %gather3A_153 {add = true} : memref<40960xf32, #tpu.memory_space<vmem>>[vector<16xi32>], vector<16xf32>,
      }
      %scan3A_92 = arith.constant 128 : i32
      %add3A_93 = arith.constant 2 : i32
      %add3A_94 = arith.addi %add3A_86, %add3A_93 : i32
      %lt3A_95 = arith.constant 80 : i32
      %lt3A_96 = arith.cmpi slt, %add3A_94, %lt3A_95 : i32
      %convert_element_type3A_97 = arith.extui %lt3A_96 : i1 to i32
      %cond3A_98 = arith.constant 0 : i32
      %cond3A_99 = arith.cmpi ne, %convert_element_type3A_97, %cond3A_98 : i32
      scf.if %cond3A_99 {
        %add3A_100 = arith.constant 2 : i32
        %add3A_101 = arith.addi %add3A_86, %add3A_100 : i32
        %mul3A_102 = arith.constant 4096 : i32
        %mul3A_103 = arith.muli %add3A_101, %mul3A_102 : i32
        %dma_start3A_104 = arith.constant 1 : i32
        %dma_start3A_105 = arith.constant 0 : i32
        %dma_start3A_106 = tpu.memref_slice %arg8[%dma_start3A_104, %dma_start3A_105] : memref<2x4096xi32, #tpu.memory_space<vmem>> -> memref<1x4096xi32, #tpu.memory_space<vmem>>
        %dma_start3A_107 = tpu.memref_squeeze %dma_start3A_106 : memref<1x4096xi32, #tpu.memory_space<vmem>> -> memref<4096xi32, #tpu.memory_space<vmem>>
        %dma_start3A_108 = tpu.memref_slice %arg3[%mul3A_103] : memref<327680xi32, #tpu.memory_space<hbm>> -> memref<4096xi32, #tpu.memory_space<hbm>>
        %dma_start3A_109 = arith.constant 0 : i32
        %dma_start3A_110 = tpu.memref_slice %arg8[%dma_start3A_104, %dma_start3A_109] : memref<2x4096xi32, #tpu.memory_space<vmem>> -> memref<1x4096xi32, #tpu.memory_space<vmem>>
        %dma_start3A_111 = tpu.memref_squeeze %dma_start3A_110 : memref<1x4096xi32, #tpu.memory_space<vmem>> -> memref<4096xi32, #tpu.memory_space<vmem>>
        %dma_start3A_112 = tpu.memref_slice %arg3[%mul3A_103] : memref<327680xi32, #tpu.memory_space<hbm>> -> memref<4096xi32, #tpu.memory_space<hbm>>
        tpu.enqueue_dma source(%dma_start3A_112 : memref<4096xi32, #tpu.memory_space<hbm>>) target(%dma_start3A_111 : memref<4096xi32, #tpu.memory_space<vmem>>) target_semaphore(%arg11 : memref<!tpu.dma_semaphore, #tpu.memory_space<semaphore_mem>>)
        %add3A_113 = arith.constant 2 : i32
        %add3A_114 = arith.addi %add3A_86, %add3A_113 : i32
        %mul3A_115 = arith.constant 4096 : i32
        %mul3A_116 = arith.muli %add3A_114, %mul3A_115 : i32
        %dma_start3A_117 = arith.constant 1 : i32
        %dma_start3A_118 = arith.constant 0 : i32
        %dma_start3A_119 = tpu.memref_slice %arg9[%dma_start3A_117, %dma_start3A_118] : memref<2x4096xi32, #tpu.memory_space<vmem>> -> memref<1x4096xi32, #tpu.memory_space<vmem>>
        %dma_start3A_120 = tpu.memref_squeeze %dma_start3A_119 : memref<1x4096xi32, #tpu.memory_space<vmem>> -> memref<4096xi32, #tpu.memory_space<vmem>>
        %dma_start3A_121 = tpu.memref_slice %arg4[%mul3A_116] : memref<327680xi32, #tpu.memory_space<hbm>> -> memref<4096xi32, #tpu.memory_space<hbm>>
        %dma_start3A_122 = arith.constant 0 : i32
        %dma_start3A_123 = tpu.memref_slice %arg9[%dma_start3A_117, %dma_start3A_122] : memref<2x4096xi32, #tpu.memory_space<vmem>> -> memref<1x4096xi32, #tpu.memory_space<vmem>>
        %dma_start3A_124 = tpu.memref_squeeze %dma_start3A_123 : memref<1x4096xi32, #tpu.memory_space<vmem>> -> memref<4096xi32, #tpu.memory_space<vmem>>
        %dma_start3A_125 = tpu.memref_slice %arg4[%mul3A_116] : memref<327680xi32, #tpu.memory_space<hbm>> -> memref<4096xi32, #tpu.memory_space<hbm>>
        tpu.enqueue_dma source(%dma_start3A_125 : memref<4096xi32, #tpu.memory_space<hbm>>) target(%dma_start3A_124 : memref<4096xi32, #tpu.memory_space<vmem>>) target_semaphore(%arg13 : memref<!tpu.dma_semaphore, #tpu.memory_space<semaphore_mem>>)
      } else {
      }
    }
    %scan3A_44 = arith.constant 40 : i32
    %mul3A_45 = arith.constant 40960 : i32
    %mul3A_46 = arith.muli %add3A, %mul3A_45 : i32
    "tpu.region"() ({
      %run_scoped3A_47 = tpu.sem_alloc : memref<!tpu.dma_semaphore, #tpu.memory_space<semaphore_mem>>
      %dma_start3A_48 = tpu.memref_slice %arg5[%mul3A_46] : memref<1310720xf32, #tpu.memory_space<hbm>> -> memref<40960xf32, #tpu.memory_space<hbm>>
      %dma_start3A_49 = tpu.memref_slice %arg5[%mul3A_46] : memref<1310720xf32, #tpu.memory_space<hbm>> -> memref<40960xf32, #tpu.memory_space<hbm>>
      tpu.enqueue_dma source(%arg7 : memref<40960xf32, #tpu.memory_space<vmem>>) target(%dma_start3A_49 : memref<40960xf32, #tpu.memory_space<hbm>>) target_semaphore(%run_scoped3A_47 : memref<!tpu.dma_semaphore, #tpu.memory_space<semaphore_mem>>)
      %dma_wait3A = tpu.memref_slice %arg5[%mul3A_46] : memref<1310720xf32, #tpu.memory_space<hbm>> -> memref<40960xf32, #tpu.memory_space<hbm>>
      %dma_wait3A_50 = tpu.memref_slice %arg5[%mul3A_46] : memref<1310720xf32, #tpu.memory_space<hbm>> -> memref<40960xf32, #tpu.memory_space<hbm>>
      tpu.wait_dma2 semaphore(%run_scoped3A_47 : memref<!tpu.dma_semaphore, #tpu.memory_space<semaphore_mem>>) src(%arg7 : memref<40960xf32, #tpu.memory_space<vmem>>) dst(%dma_wait3A_50 : memref<40960xf32, #tpu.memory_space<hbm>>)
      tpu.yield
    }) : () -> ()
    return
  }
}

module attributes {stable_mosaic.version = 14 : i64} {
  func.func @_tc1_body(%arg0: i32, %arg1: memref<128x1280xf32, #tpu.memory_space<vmem>>, %arg2: memref<128x128xf32, #tpu.memory_space<vmem>>, %arg3: memref<32x1280xf32, #tpu.memory_space<vmem>>, %arg4: memref<128x1280xf32, #tpu.memory_space<vmem>>, %arg5: memref<16x1280xf32, #tpu.memory_space<vmem>>) attributes {dimension_semantics = [#tpu.dimension_semantics<arbitrary>], iteration_bounds = array<i64: 8>, scalar_prefetch = 0 : i64, scratch_operands = 0 : i64, tpu.core_type = #tpu.core_type<tc>, window_params = [{transform_indices = @transform_0, window_bounds = array<i64: 128, 1280>}, {pipeline_mode = #tpu.pipeline_mode<synchronous>, transform_indices = @transform_1, window_bounds = array<i64: 128, 128>}, {transform_indices = @transform_2, window_bounds = array<i64: 32, 1280>}, {transform_indices = @transform_3, window_bounds = array<i64: 128, 1280>}, {transform_indices = @transform_4, window_bounds = array<i64: 16, 1280>}]} {
    %get3A = arith.constant 0 : index
    %get3A_0 = arith.constant 0 : index
    %get3A_1 = vector.load %arg3[%get3A, %get3A_0] : memref<32x1280xf32, #tpu.memory_space<vmem>>, vector<32x1280xf32>
    %reduce_sum3A = arith.constant dense<0.000000e+00> : vector<1280xf32>
    %reduce_sum3A_2 = vector.multi_reduction <add>, %get3A_1, %reduce_sum3A [0] : vector<32x1280xf32> to vector<1280xf32>
    %broadcast_in_dim3A = vector.shape_cast %reduce_sum3A_2 : vector<1280xf32> to vector<1x1280xf32>
    %add3A = arith.constant 1.000000e+00 : f32
    %add3A_3 = vector.broadcast %add3A : f32 to vector<1x1280xf32>
    %add3A_4 = arith.addf %broadcast_in_dim3A, %add3A_3 : vector<1x1280xf32>
    %rsqrt3A = math.rsqrt %add3A_4 : vector<1x1280xf32>
    %get3A_5 = arith.constant 0 : index
    %get3A_6 = arith.constant 0 : index
    %get3A_7 = vector.load %arg2[%get3A_5, %get3A_6] : memref<128x128xf32, #tpu.memory_space<vmem>>, vector<128x128xf32>
    %get3A_8 = arith.constant 0 : index
    %get3A_9 = arith.constant 0 : index
    %get3A_10 = vector.load %arg1[%get3A_8, %get3A_9] : memref<128x1280xf32, #tpu.memory_space<vmem>>, vector<128x1280xf32>
    %dot_general3A = arith.constant dense<0.000000e+00> : vector<128x1280xf32>
    %dot_general3A_11 = tpu.matmul %get3A_7, %get3A_10, %dot_general3A {dimension_numbers = #tpu.dot_dimension_numbers<[1], [0], [0], [1], [0, 0, 1, 1], [], []>, transpose_lhs_hint = false} : vector<128x128xf32>, vector<128x1280xf32>, vector<128x1280xf32> -> vector<128x1280xf32>
    %mul3A = vector.broadcast %rsqrt3A : vector<1x1280xf32> to vector<128x1280xf32>
    %mul3A_12 = arith.mulf %dot_general3A_11, %mul3A : vector<128x1280xf32>
    %swap3A = arith.constant 0 : index
    %swap3A_13 = arith.constant 0 : index
    %swap3A_14 = vector.load %arg4[%swap3A, %swap3A_13] : memref<128x1280xf32, #tpu.memory_space<vmem>>, vector<128x1280xf32>
    tpu.vector_store %arg4[%swap3A, %swap3A_13], %mul3A_12 {strides = array<i32>} : memref<128x1280xf32, #tpu.memory_space<vmem>>, vector<128x1280xf32>,
    %broadcast_in_dim3A_15 = vector.shape_cast %rsqrt3A : vector<1x1280xf32> to vector<1x1280xf32>
    %broadcast_in_dim3A_16 = vector.broadcast %broadcast_in_dim3A_15 : vector<1x1280xf32> to vector<16x1280xf32>
    %swap3A_17 = arith.constant 0 : index
    %swap3A_18 = arith.constant 0 : index
    %swap3A_19 = vector.load %arg5[%swap3A_17, %swap3A_18] : memref<16x1280xf32, #tpu.memory_space<vmem>>, vector<16x1280xf32>
    tpu.vector_store %arg5[%swap3A_17, %swap3A_18], %broadcast_in_dim3A_16 {strides = array<i32>} : memref<16x1280xf32, #tpu.memory_space<vmem>>, vector<16x1280xf32>,
    return
  }
  func.func @transform_0(%arg0: i32) -> (i32, i32) {
    %c0_i32 = arith.constant 0 : i32
    %c0_i32_0 = arith.constant 0 : i32
    return %c0_i32, %arg0 : i32, i32
  }
  func.func @transform_1(%arg0: i32) -> (i32, i32) {
    %c0_i32 = arith.constant 0 : i32
    %c0_i32_0 = arith.constant 0 : i32
    %c0_i32_1 = arith.constant 0 : i32
    return %c0_i32, %c0_i32_0 : i32, i32
  }
  func.func @transform_2(%arg0: i32) -> (i32, i32) {
    %c0_i32 = arith.constant 0 : i32
    %c0_i32_0 = arith.constant 0 : i32
    return %c0_i32, %arg0 : i32, i32
  }
  func.func @transform_3(%arg0: i32) -> (i32, i32) {
    %c0_i32 = arith.constant 0 : i32
    %c0_i32_0 = arith.constant 0 : i32
    return %c0_i32, %arg0 : i32, i32
  }
  func.func @transform_4(%arg0: i32) -> (i32, i32) {
    %c0_i32 = arith.constant 0 : i32
    %c0_i32_0 = arith.constant 0 : i32
    return %c0_i32, %arg0 : i32, i32
  }
}

module attributes {stable_mosaic.version = 14 : i64} {
  func.func @_tc2_body(%arg0: i32, %arg1: memref<128x1280xf32, #tpu.memory_space<vmem>>, %arg2: memref<128x1280xf32, #tpu.memory_space<vmem>>, %arg3: memref<16x1280xf32, #tpu.memory_space<vmem>>, %arg4: memref<128x128xf32, #tpu.memory_space<vmem>>, %arg5: memref<128x128xf32, #tpu.memory_space<vmem>>, %arg6: memref<128x1280xf32, #tpu.memory_space<vmem>>) attributes {dimension_semantics = [#tpu.dimension_semantics<arbitrary>], iteration_bounds = array<i64: 8>, scalar_prefetch = 0 : i64, scratch_operands = 0 : i64, tpu.core_type = #tpu.core_type<tc>, window_params = [{transform_indices = @transform_0, window_bounds = array<i64: 128, 1280>}, {transform_indices = @transform_1, window_bounds = array<i64: 128, 1280>}, {transform_indices = @transform_2, window_bounds = array<i64: 16, 1280>}, {pipeline_mode = #tpu.pipeline_mode<synchronous>, transform_indices = @transform_3, window_bounds = array<i64: 128, 128>}, {pipeline_mode = #tpu.pipeline_mode<synchronous>, transform_indices = @transform_4, window_bounds = array<i64: 128, 128>}, {transform_indices = @transform_5, window_bounds = array<i64: 128, 1280>}]} {
    %get3A = arith.constant 0 : index
    %get3A_0 = arith.constant 0 : index
    %get3A_1 = vector.load %arg3[%get3A, %get3A_0] : memref<16x1280xf32, #tpu.memory_space<vmem>>, vector<1x1280xf32>
    %get3A_2 = arith.constant 0 : index
    %get3A_3 = arith.constant 0 : index
    %get3A_4 = vector.load %arg1[%get3A_2, %get3A_3] : memref<128x1280xf32, #tpu.memory_space<vmem>>, vector<128x1280xf32>
    %get3A_5 = arith.constant 0 : index
    %get3A_6 = arith.constant 0 : index
    %get3A_7 = vector.load %arg2[%get3A_5, %get3A_6] : memref<128x1280xf32, #tpu.memory_space<vmem>>, vector<128x1280xf32>
    %add3A = arith.addf %get3A_4, %get3A_7 : vector<128x1280xf32>
    %mul3A = vector.broadcast %get3A_1 : vector<1x1280xf32> to vector<128x1280xf32>
    %mul3A_8 = arith.mulf %add3A, %mul3A : vector<128x1280xf32>
    %get3A_9 = arith.constant 0 : index
    %get3A_10 = arith.constant 0 : index
    %get3A_11 = vector.load %arg4[%get3A_9, %get3A_10] : memref<128x128xf32, #tpu.memory_space<vmem>>, vector<128x1xf32>
    %add3A_12 = vector.broadcast %get3A_11 : vector<128x1xf32> to vector<128x1280xf32>
    %add3A_13 = arith.addf %mul3A_8, %add3A_12 : vector<128x1280xf32>
    %max3A = arith.constant 0.000000e+00 : f32
    %max3A_14 = vector.broadcast %max3A : f32 to vector<128x1280xf32>
    %max3A_15 = arith.maximumf %add3A_13, %max3A_14 : vector<128x1280xf32>
    %get3A_16 = arith.constant 0 : index
    %get3A_17 = arith.constant 0 : index
    %get3A_18 = vector.load %arg5[%get3A_16, %get3A_17] : memref<128x128xf32, #tpu.memory_space<vmem>>, vector<128x128xf32>
    %dot_general3A = arith.constant dense<0.000000e+00> : vector<128x1280xf32>
    %dot_general3A_19 = tpu.matmul %get3A_18, %max3A_15, %dot_general3A {dimension_numbers = #tpu.dot_dimension_numbers<[1], [0], [0], [1], [0, 0, 1, 1], [], []>, transpose_lhs_hint = false} : vector<128x128xf32>, vector<128x1280xf32>, vector<128x1280xf32> -> vector<128x1280xf32>
    %mul3A_20 = vector.broadcast %get3A_1 : vector<1x1280xf32> to vector<128x1280xf32>
    %mul3A_21 = arith.mulf %dot_general3A_19, %mul3A_20 : vector<128x1280xf32>
    %swap3A = arith.constant 0 : index
    %swap3A_22 = arith.constant 0 : index
    %swap3A_23 = vector.load %arg6[%swap3A, %swap3A_22] : memref<128x1280xf32, #tpu.memory_space<vmem>>, vector<128x1280xf32>
    tpu.vector_store %arg6[%swap3A, %swap3A_22], %mul3A_21 {strides = array<i32>} : memref<128x1280xf32, #tpu.memory_space<vmem>>, vector<128x1280xf32>,
    return
  }
  func.func @transform_0(%arg0: i32) -> (i32, i32) {
    %c0_i32 = arith.constant 0 : i32
    %c0_i32_0 = arith.constant 0 : i32
    return %c0_i32, %arg0 : i32, i32
  }
  func.func @transform_1(%arg0: i32) -> (i32, i32) {
    %c0_i32 = arith.constant 0 : i32
    %c0_i32_0 = arith.constant 0 : i32
    return %c0_i32, %arg0 : i32, i32
  }
  func.func @transform_2(%arg0: i32) -> (i32, i32) {
    %c0_i32 = arith.constant 0 : i32
    %c0_i32_0 = arith.constant 0 : i32
    return %c0_i32, %arg0 : i32, i32
  }
  func.func @transform_3(%arg0: i32) -> (i32, i32) {
    %c0_i32 = arith.constant 0 : i32
    %c0_i32_0 = arith.constant 0 : i32
    %c0_i32_1 = arith.constant 0 : i32
    return %c0_i32, %c0_i32_0 : i32, i32
  }
  func.func @transform_4(%arg0: i32) -> (i32, i32) {
    %c0_i32 = arith.constant 0 : i32
    %c0_i32_0 = arith.constant 0 : i32
    %c0_i32_1 = arith.constant 0 : i32
    return %c0_i32, %c0_i32_0 : i32, i32
  }
  func.func @transform_5(%arg0: i32) -> (i32, i32) {
    %c0_i32 = arith.constant 0 : i32
    %c0_i32_0 = arith.constant 0 : i32
    return %c0_i32, %arg0 : i32, i32
  }
}

module attributes {stable_mosaic.version = 14 : i64} {
  func.func @_tc3_body(%arg0: i32, %arg1: memref<128x1280xf32, #tpu.memory_space<vmem>>, %arg2: memref<128x1280xf32, #tpu.memory_space<vmem>>, %arg3: memref<16x1280xf32, #tpu.memory_space<vmem>>, %arg4: memref<128x128xf32, #tpu.memory_space<vmem>>, %arg5: memref<128x1280xf32, #tpu.memory_space<vmem>>) attributes {dimension_semantics = [#tpu.dimension_semantics<arbitrary>], iteration_bounds = array<i64: 8>, scalar_prefetch = 0 : i64, scratch_operands = 0 : i64, tpu.core_type = #tpu.core_type<tc>, window_params = [{transform_indices = @transform_0, window_bounds = array<i64: 128, 1280>}, {transform_indices = @transform_1, window_bounds = array<i64: 128, 1280>}, {transform_indices = @transform_2, window_bounds = array<i64: 16, 1280>}, {pipeline_mode = #tpu.pipeline_mode<synchronous>, transform_indices = @transform_3, window_bounds = array<i64: 128, 128>}, {transform_indices = @transform_4, window_bounds = array<i64: 128, 1280>}]} {
    %get3A = arith.constant 0 : index
    %get3A_0 = arith.constant 0 : index
    %get3A_1 = vector.load %arg3[%get3A, %get3A_0] : memref<16x1280xf32, #tpu.memory_space<vmem>>, vector<1x1280xf32>
    %get3A_2 = arith.constant 0 : index
    %get3A_3 = arith.constant 0 : index
    %get3A_4 = vector.load %arg1[%get3A_2, %get3A_3] : memref<128x1280xf32, #tpu.memory_space<vmem>>, vector<128x1280xf32>
    %get3A_5 = arith.constant 0 : index
    %get3A_6 = arith.constant 0 : index
    %get3A_7 = vector.load %arg2[%get3A_5, %get3A_6] : memref<128x1280xf32, #tpu.memory_space<vmem>>, vector<128x1280xf32>
    %add3A = arith.addf %get3A_4, %get3A_7 : vector<128x1280xf32>
    %mul3A = vector.broadcast %get3A_1 : vector<1x1280xf32> to vector<128x1280xf32>
    %mul3A_8 = arith.mulf %add3A, %mul3A : vector<128x1280xf32>
    %get3A_9 = arith.constant 0 : index
    %get3A_10 = arith.constant 0 : index
    %get3A_11 = vector.load %arg4[%get3A_9, %get3A_10] : memref<128x128xf32, #tpu.memory_space<vmem>>, vector<128x1xf32>
    %add3A_12 = vector.broadcast %get3A_11 : vector<128x1xf32> to vector<128x1280xf32>
    %add3A_13 = arith.addf %mul3A_8, %add3A_12 : vector<128x1280xf32>
    %swap3A = arith.constant 0 : index
    %swap3A_14 = arith.constant 0 : index
    %swap3A_15 = vector.load %arg5[%swap3A, %swap3A_14] : memref<128x1280xf32, #tpu.memory_space<vmem>>, vector<128x1280xf32>
    tpu.vector_store %arg5[%swap3A, %swap3A_14], %add3A_13 {strides = array<i32>} : memref<128x1280xf32, #tpu.memory_space<vmem>>, vector<128x1280xf32>,
    return
  }
  func.func @transform_0(%arg0: i32) -> (i32, i32) {
    %c0_i32 = arith.constant 0 : i32
    %c0_i32_0 = arith.constant 0 : i32
    return %c0_i32, %arg0 : i32, i32
  }
  func.func @transform_1(%arg0: i32) -> (i32, i32) {
    %c0_i32 = arith.constant 0 : i32
    %c0_i32_0 = arith.constant 0 : i32
    return %c0_i32, %arg0 : i32, i32
  }
  func.func @transform_2(%arg0: i32) -> (i32, i32) {
    %c0_i32 = arith.constant 0 : i32
    %c0_i32_0 = arith.constant 0 : i32
    return %c0_i32, %arg0 : i32, i32
  }
  func.func @transform_3(%arg0: i32) -> (i32, i32) {
    %c0_i32 = arith.constant 0 : i32
    %c0_i32_0 = arith.constant 0 : i32
    %c0_i32_1 = arith.constant 0 : i32
    return %c0_i32, %c0_i32_0 : i32, i32
  }
  func.func @transform_4(%arg0: i32) -> (i32, i32) {
    %c0_i32 = arith.constant 0 : i32
    %c0_i32_0 = arith.constant 0 : i32
    return %c0_i32, %arg0 : i32, i32
  }
}

</mosaic_0001>

<sc_bundles>
// kernel: kernel.11.cloned.1.call-start
scs
__scs_entry_jumppad:
0x0: {  	(pc) =	sbr.rel $0x88, $3  }
0x1: {  	(tag) =	ssettag $0x0;
	lr =	simm.s32 $0x1  }
0x2: {  	[smem:$0x3F9B] =	sst lr;
	_ =	strace $0xD0000000  }
0x3: {  	_ = 	snop  }
0x4: {  	_ = 	snop  }
0x5: {  	_ = 	snop  }
0x6: {  	_ = 	snop  }
0x7: {  	_ = 	snop  }
__scs_overlays_trampoline_lowered:
0x8: {  	[smem:$0x3FAA] =	sst s0  }
0x9: {  	[smem:$0x3FAB] =	sst s1  }
0xa: {  	[smem:$0x3FAC] =	sst s2  }
0xb: {  	[smem:$0x3FAD] =	sst s3  }
0xc: {  	[smem:$0x3FAE] =	sst s4  }
0xd: {  	[smem:$0x3FAF] =	sst s5  }
0xe: {  	[smem:$0x3FB0] =	sst s6  }
0xf: {  	[smem:$0x3FB1] =	sst s7  }
0x10: {  	[smem:$0x3FB2] =	sst s8  }
0x11: {  	[smem:$0x3FB3] =	sst s9;
	s0 =	simm.s32 @!p0 $0x0  }
0x12: {  	s1 =	sld [smem:$0x3F99];
	s0 =	simm.s32 @p0 $0x1  }
0x13: {  	[smem:$0x3FB4] =	sst s0;
	s0 =	simm.s32 @!p1 $0x0  }
0x14: {  	s2 =	sld [smem:$0x3F98];
	s0 =	simm.s32 @p1 $0x1  }
0x15: {  	[smem:$0x3FB5] =	sst s0;
	s0 =	simm.s32 @!p2 $0x0  }
0x16: {  	s3 =	sld [smem:$0x3FDB];
	s0 =	simm.s32 @p2 $0x1  }
0x17: {  	s4 =	simm.s32 $0x1BF5;
	[smem:$0x3FB7] =	sst s0  }
0x18: {  	s0 =	sld [smem:$0x3F9A];
	_ =	swait.ge [sflag:s4], $0x0  }
0x19: {  	s7 =	sld [smem:$0x3F9B]  }
0x1a: {  	s8 =	sadd.s32 $0xFFFFE003, lr  }
0x1b: {  	s9 =	sadd.s32 $0xFFFFFEF7, lr;
	s5 =	simm.s32 $0xFFFFFFFF;
	p2 =	slt.u32 s8, $0xFFFFF086  }
0x1c: {  	p1 =	slt.u32 s9, $0xF7A;
	s5 =	simm.s32 @!p2 $0x0  }
0x1d: {  	s5 =	simm.s32 @p1 $0x1;
	p0 =	seq.s32 s7, s2  }
0x1e: {  	s7 =	smul.u32 @!p0 $0xF7A, s2;
	p2 =	seq.s32 @!p0 s5, $0x0  }
0x1f: {  	s9 =	smul.u32 $0xF7A, s1;
	s8 =	simm.s32 @!p0 $0x1BF5;
	p2 =	por !p2, p0  }
0x20: {  	[sflag:s8] =	ssyncset.s32 @!p0 $0xFFFFF086;
	s6 =	sadd.s32 @!p0 s3, s7;
	s7 =	simm.s32 @!p0 $0x108  }
0x21: {  	s3 =	sadd.s32 s3, s9;
	s6 =	sadd.s32 @!p0 $0x88, s6;
	s7 =	simm.s32 @p2 $0x1082  }
0x22: {  	[simem:s7], [sflag:s8] =	dma.local @!p0 [hbm:s6], $0xF7A  }
0x23: {  	s9 =	sor.u32 $0xD0000000, s2;
	s6 =	simm.s32 $0x108;
	_ =	swait.ge @!p0 [sflag:s8], $0x0  }
0x24: {  	s3 =	sadd.s32 $0x88, s3;
	s6 =	simm.s32 @!p1 $0x1082;
	[sflag:s4] =	ssyncset.s32 $0xFFFFF086  }
0x25: {  	[simem:s6], [sflag:s4] =	dma.local [hbm:s3], $0xF7A  }
0x26: {  	[smem:$0x3F9B] =	sst s1;
	(tag) =	ssettag s2;
	_ =	strace s9  }
0x27: {  	s1 =	sld [smem:$0x3FAB]  }
0x28: {  	s2 =	sld [smem:$0x3FAC]  }
0x29: {  	s4 =	sld [smem:$0x3FAE]  }
0x2a: {  	p0 =	seq.s32 s5, $0x0;
	s5 =	sld [smem:$0x3FAF]  }
0x2b: {  	s6 =	sld [smem:$0x3FB0]  }
0x2c: {  	s7 =	sld [smem:$0x3FB1]  }
0x2d: {  	s3 =	simm.s32 $0x108;
	s8 =	sld [smem:$0x3FB2]  }
0x2e: {  	s3 =	simm.s32 @!p0 $0x1082;
	s9 =	sld [smem:$0x3FB3]  }
0x2f: {  	lr =	sadd.s32 s0, s3;
	s0 =	sld [smem:$0x3FAA]  }
0x30: {  	s3 =	sld [smem:$0x3FAD]  }
0x31: {  	[smem:$0x3FB6] =	sst s10  }
0x32: {  	s10 =	sld [smem:$0x3FB4];
	_ =	sdelay $0x3  }
0x33: {  	p0 =	seq.s32 s10, $0x1;
	s10 =	sld [smem:$0x3FB6];
	_ =	sdelay $0x3  }
0x34: {  	[smem:$0x3FB6] =	sst s10  }
0x35: {  	s10 =	sld [smem:$0x3FB5];
	_ =	sdelay $0x3  }
0x36: {  	p1 =	seq.s32 s10, $0x1;
	s10 =	sld [smem:$0x3FB6];
	_ =	sdelay $0x3  }
0x37: {  	[smem:$0x3FB6] =	sst s10  }
0x38: {  	s10 =	sld [smem:$0x3FB7]  }
0x39: {  	_ = 	snop;
	(pc) =	sbr.ind lr, $3  }
0x3a: {  	_ = 	snop  }
0x3b: {  	_ = 	snop  }
0x3c: {  	p2 =	seq.s32 s10, $0x1;
	s10 =	sld [smem:$0x3FB6]  }
0x3d: {  	_ =	shalt  }
0x3e: {  	_ =	shalt  }
0x3f: {  	_ =	shalt  }
0x40: {  	_ =	shalt  }
0x41: {  	_ =	shalt  }
0x42: {  	_ =	shalt  }
0x43: {  	_ =	shalt  }
0x44: {  	_ =	shalt  }
0x45: {  	_ =	shalt  }
0x46: {  	_ =	shalt  }
0x47: {  	_ =	shalt  }
0x48: {  	_ =	shalt  }
0x49: {  	_ =	shalt  }
0x4a: {  	_ =	shalt  }
0x4b: {  	_ =	shalt  }
0x4c: {  	_ =	shalt  }
0x4d: {  	_ =	shalt  }
0x4e: {  	_ =	shalt  }
0x4f: {  	_ =	shalt  }
0x50: {  	_ =	shalt  }
0x51: {  	_ =	shalt  }
0x52: {  	_ =	shalt  }
0x53: {  	_ =	shalt  }
0x54: {  	_ =	shalt  }
0x55: {  	_ =	shalt  }
0x56: {  	_ =	shalt  }
0x57: {  	_ =	shalt  }
0x58: {  	_ =	shalt  }
0x59: {  	_ =	shalt  }
0x5a: {  	_ =	shalt  }
0x5b: {  	_ =	shalt  }
0x5c: {  	_ =	shalt  }
0x5d: {  	_ =	shalt  }
0x5e: {  	_ =	shalt  }
0x5f: {  	_ =	shalt  }
0x60: {  	_ =	shalt  }
0x61: {  	_ =	shalt  }
0x62: {  	_ =	shalt  }
0x63: {  	_ =	shalt  }
0x64: {  	_ =	shalt  }
0x65: {  	_ =	shalt  }
0x66: {  	_ =	shalt  }
0x67: {  	_ =	shalt  }
0x68: {  	_ =	shalt  }
0x69: {  	_ =	shalt  }
0x6a: {  	_ =	shalt  }
0x6b: {  	_ =	shalt  }
0x6c: {  	_ =	shalt  }
0x6d: {  	_ =	shalt  }
0x6e: {  	_ =	shalt  }
0x6f: {  	_ =	shalt  }
0x70: {  	_ =	shalt  }
0x71: {  	_ =	shalt  }
0x72: {  	_ =	shalt  }
0x73: {  	_ =	shalt  }
0x74: {  	_ =	shalt  }
0x75: {  	_ =	shalt  }
0x76: {  	_ =	shalt  }
0x77: {  	_ =	shalt  }
0x78: {  	_ =	shalt  }
0x79: {  	_ =	shalt  }
0x7a: {  	_ =	shalt  }
0x7b: {  	_ =	shalt  }
0x7c: {  	_ =	shalt  }
0x7d: {  	_ =	shalt  }
0x7e: {  	_ =	shalt  }
0x7f: {  	_ =	shalt  }
0x80: {  	_ =	shalt  }
0x81: {  	_ =	shalt  }
0x82: {  	_ =	shalt  }
0x83: {  	_ =	shalt  }
0x84: {  	_ =	shalt  }
0x85: {  	_ =	shalt  }
0x86: {  	_ =	shalt  }
0x87: {  	_ =	shalt  }
.Lfunc_end0:
.L_simem_size_0:
called_computation.1_lowered:
.L_overlay_start_0:
0x88: {  	s2 =	sld [smem:$0x3FD9]  }
0x89: {  	s3 =	sld [smem:$0x3FFE];
	_ =	sdelay $0x1  }
0x8a: {  	s1 =	srdreg.scid  }
0x8b: {  	s0 =	sand.u32 $0x1, s1  }
0x8c: {  	s17 =	sshll.u32 s0, $0xA;
	s2 =	sadd.s32 s3, s2  }
0x8d: {  	s2 =	sadd.s32 s2, s17  }
0x8e: {  	[smem:$0x3FC2] =	sst s2  }
0x8f: {  	_ = 	snop  }
0x90: {  	s2 =	sld [smem:$0x3FD0];
	(tm) =	ssettm $0x1  }
0x91: {  	s18 =	sld [smem:$0x3FFB];
	_ =	sdelay $0x3  }
0x92: {  	_ =	strace s18  }
0x93: {  	s3 =	sld [smem:$0x3FFC];
	_ =	sdelay $0x3  }
0x94: {  	_ =	strace s3  }
0x95: {  	s3 =	sld [smem:$0x3FFD];
	_ =	sdelay $0x3  }
0x96: {  	_ =	strace s3  }
0x97: {  	_ =	strace $0x8FFFFFFF  }
0x98: {  	s19 =	sld [smem:$0x3FDB];
	_ =	sdelay $0x1  }
0x99: {  	s4 =	simm.s32 $_scs_section_size  }
0x9a: {  	s5 =	simm.s32 $_size__tile_overlayer_lowered;
	s6 =	simm.s32 $_tile_overlayer_lowered  }
0x9b: {  	s22 =	simm.s32 $0x1BFF;
	s21 =	sshll.u32 s6, $0x1;
	s3 =	sadd.s32 s4, s19  }
0x9c: {  	s7 =	simm.s32 $0x0;
	s20 =	sshll.u32 s5, $0x1;
	s5 =	sadd.s32 s21, s3  }
0x9d: {  	[timem:s7], [sflag:s22] =	dma.local [hbm:s5], s20  }
0x9e: {  	_ =	swait.ge [sflag:s22], s20  }
0x9f: {  	s4 =	ssub.s32 $0x0, s20;
	[sflag:s22] =	ssyncset.done $0x0  }
0xa0: {  	[sflag:s22] =	ssyncadd.s32 s4;
	_ =	sdelay $0x1  }
0xa1: {  	s23 =	simm.s32 $0x1B8B  }
0xa2: {  	_ =	swait.ge [sflag:s23], $0x1  }
0xa3: {  	[sflag:s23] =	ssyncset.done $0x0  }
0xa4: {  	s25 =	simm.s32 $0x1B8E;
	s24 =	sld [smem:$0x3FFE];
	[sflag:s23] =	ssyncadd.s32 $0xFFFFFFFF  }
0xa5: {  	s26 =	simm.s32 $execute0_lowered;
	[smem:$0x3FD2] =	sst s25  }
0xa6: {  	s5 =	sshll.u32 s26, $0x1;
	_ =	strace $0x80000049;
	[dreg:$0x1] =	wrdreg $0xFFFFFFFF  }
0xa7: {  	s28 =	simm.s32 $_size_execute0_lowered;
	s3 =	sadd.s32 s3, s5;
	[dreg:$0x0] =	wrdreg $0x0  }
0xa8: {  	s5 =	sshll.u32 s28, $0x1;
	[dreg:$0x2] =	wrdreg s3  }
0xa9: {  	[dreg:$0x3] =	wrdreg s5  }
0xaa: {  	[dreg:$0x4] =	wrdreg $0xC0  }
0xab: {  	_ =	task [dreg:s7], $0x5FFFF  }
0xac: {  	[dreg:$0x1] =	wrdreg $0xFFFFFFFF  }
0xad: {  	[dreg:$0x0] =	wrdreg $0x60  }
0xae: {  	[dreg:$0x2] =	wrdreg s24  }
0xaf: {  	[dreg:$0x3] =	wrdreg s2  }
0xb0: {  	[dreg:$0x4] =	wrdreg $0x9  }
0xb1: {  	_ =	task.clear_ibuf [dreg:s7], $0x5FFFF;
	_ =	strace $0x90000049  }
0xb2: {  	s29 =	simm.s32 $0x9;
	_ =	strace $0x8000004B  }
0xb3: {  	_ =	swait.ge [sflag:s29], $0x1  }
0xb4: {  	[sflag:s29] =	ssyncadd.s32 $0xFFFFFFFF  }
0xb5: {  	_ =	strace $0x9000004B  }
0xb6: {  	_ =	sfence  }
0xb7: {  	s30 =	sld [smem:$0x0];
	_ =	sdelay $0x2  }
0xb8: {  	s31 =	sshll.u32 s1, $0xD;
	s1 =	sshrl.u32 s1, $0x2  }
0xb9: {  	s3 =	sand.u32 $0x4000, s31;
	s1 =	sadd.s32 s1, s30  }
0xba: {  	s0 =	sor.u32 s3, s0;
	s1 =	sshll.u32 s1, $0x11  }
0xbb: {  	s0 =	sor.u32 s1, s0  }
0xbc: {  	s0 =	sadd.s32 $0x8F2B, s0  }
0xbd: {  	[sflag:s0] =	ssyncadd.remote.s32 $0x1  }
0xbe: {  	_ =	sfence.sel $0xFFFF  }
0xbf: {  	[dreg:$0x0] =	wrdreg $0xFFFFFFFF;
	(pc) =	sbr.abs _section_cstart, $3  }
0xc0: {  	[dreg:$0x1] =	wrdreg $0xFFFFFFFF  }
0xc1: {  	_ =	task.clear_ibuf [dreg:s7], $0x2FFFF;
	_ =	strace $0x9FFFFFFF  }
0xc2: {  	(tm) =	ssettm $0x7FFFFFFF  }
0xc3: {  	_ =	shalt  }
tec
execute0_lowered:
.L_overlay_start_1:
0x0: {  	(tag) =	ssettag $0x1  }
0x1: {  	s6 =	rddreg [dreg:$0x0]  }
0x2: {  	s0 =	srdreg.scid;
	s2 =	rddreg [dreg:$0x1];
	s3 =	simm.s32 $0x0  }
0x3: {  	s10 =	simm.s32 $0x5;
	s11 =	simm.s32 $0xA000;
	s12 =	simm.s32 $0x2  }
0x4: {  	s13 =	simm.s32 $0x4;
	s14 =	simm.s32 $0x0;
	s4 =	sand.u32 $0x1, s0  }
0x5: {  	s0 =	stileid.u32;
	[smem:$0x7FF] =	sst s3;
	s1 =	sshll.u32 s4, $0x4  }
.Ltmp0:
0x6: {  	s7 =	ssub.s32 $0x2, s4;
	s5 =	sor.u32 s0, s1;
	(pc) =	sbr.rel .LBB2_1-.Ltmp0, $4  }
0x7: {  	s4 =	sadd.s32 $0xB800, s6;
	s31 =	sshrl.u32 s7, $0x1;
	s5 =	smul.u32 $0x1400, s5  }
0x8: {  	s1 =	rddreg [dreg:$0x2];
	_ =	strace $0x8000004A;
	s9 =	ssub.s32 s7, s31  }
0x9: {  	s7 =	sadd.s32 $0x200, s2;
	s9 =	smax.u32 s9, $0x1;
	s8 =	sadd.s32 s5, s6  }
0xa: {  	v0 =	vimm.f32 $0.0e+00;
	s6 =	sadd.s32 $0xBA00, s6;
	s5 =	sadd.s32 $0x15800, s8;
	s8 =	sadd.s32 $0x3D800, s8  }
.LBB2_28:
0xb: {  	s14 =	sadd.s32 $0x1, s14  }
0xc: {  	p0 =	sne.s32 s14, s9  }
.Ltmp1:
0xd: {  	_ = 	snop;
	(pc) =	sbr.rel @!p0 .LBB2_29-.Ltmp1, $4  }
0xe: {  	[hbm4b:s8+s3] =	stream.linear.scatter [tilespmem:s11], [sflag:$0x5], $0xA000, $0x38;
	[tilespmem:$0x18000] =	vst v63  }
0xf: {  	_ =	swait.ge [sflag:s10], $0xA000  }
0x10: {  	[sflag:s10] =	ssyncset.done $0x0  }
0x11: {  	[sflag:s10] =	ssyncadd.s32 $0xFFFF6000  }
.LBB2_1:
0x12: {  	s15 =	simm.s32 $0x40;
	s16 =	simm.s32 $0x0  }
.LBB2_2:
0x13: {  	p0 =	sne.s32 s15, $0x27FC0;
	[tilespmem:s16+$0xA000] =	vst v0;
	s16 =	smov.u32 s15;
	s15 =	sadd.s32 $0x40, s15  }
.Ltmp2:
0x14: {  	(pc) =	sbr.rel @p0 .LBB2_2-.Ltmp2, $2  }
0x15: {  	_ =	sdelay $0x2  }
0x16: {  	s16 =	sshra.s32 s16, $0x2  }
0x17: {  	[tilespmem:s16+$0xA000] =	vst v0;
	s15 =	simm.s32 $0x0  }
0x18: {  	[tilespmem:s15], [sflag:$0x5] =	stream.linear.gather [hbm4b:s5+s15], $0xA000, $0x38;
	[tilespmem:$0x18000] =	vst v63  }
0x19: {  	_ =	swait.ge [sflag:s10], $0xA000  }
0x1a: {  	s16 =	simm.s32 $0x10;
	s18 =	sadd.s32 $0x0, s4;
	[sflag:s10] =	ssyncset.done $0x0  }
0x1b: {  	s17 =	simm.s32 $0x14100;
	s15 =	simm.s32 $0x14000;
	[sflag:s10] =	ssyncadd.s32 $0xFFFF6000  }
.LBB2_4:
0x1c: {  	[tilespmem:s15], [sflag:$0x5] =	stream.linear.gather [hbm4b:s18+s3], $0x80, $0x38;
	[tilespmem:$0x18000] =	vst v63  }
0x1d: {  	s18 =	smov.u32 s16;
	s15 =	smov.u32 s17;
	p0 =	sne.s32 s16, $0x1F0  }
.Ltmp3:
0x1e: {  	s16 =	sadd.s32 $0x10, s16;
	(pc) =	sbr.rel @p0 .LBB2_4-.Ltmp3, $2  }
0x1f: {  	_ =	sdelay $0x2  }
0x20: {  	s17 =	sadd.s32 $0x100, s17;
	s18 =	sadd.s32 s18, s4  }
0x21: {  	[tilespmem:s15], [sflag:$0x5] =	stream.linear.gather [hbm4b:s18+s3], $0x80, $0x38;
	[tilespmem:$0x18000] =	vst v63  }
0x22: {  	_ =	swait.ge [sflag:s10], $0x1000  }
0x23: {  	s15 =	simm.s32 $0x16000;
	s16 =	simm.s32 $0x10;
	[sflag:s10] =	ssyncset.done $0x0  }
0x24: {  	s18 =	sadd.s32 $0x0, s2;
	s17 =	simm.s32 $0x16100;
	[sflag:s10] =	ssyncadd.s32 $0xFFFFF000  }
.LBB2_6:
0x25: {  	[tilespmem:s15], [sflag:$0x5] =	stream.linear.gather [hbm4b:s18+s3], $0x80, $0x38;
	[tilespmem:$0x18000] =	vst v63  }
0x26: {  	s18 =	smov.u32 s16;
	s15 =	smov.u32 s17;
	p0 =	sne.s32 s16, $0x1F0  }
.Ltmp4:
0x27: {  	s16 =	sadd.s32 $0x10, s16;
	(pc) =	sbr.rel @p0 .LBB2_6-.Ltmp4, $2  }
0x28: {  	_ =	sdelay $0x2  }
0x29: {  	s17 =	sadd.s32 $0x100, s17;
	s18 =	sadd.s32 s18, s2  }
0x2a: {  	[tilespmem:s15], [sflag:$0x5] =	stream.linear.gather [hbm4b:s18+s3], $0x80, $0x38;
	[tilespmem:$0x18000] =	vst v63  }
0x2b: {  	_ =	swait.ge [sflag:s10], $0x1000  }
0x2c: {  	s15 =	simm.s32 $0x14080;
	s16 =	simm.s32 $0x10;
	[sflag:s10] =	ssyncset.done $0x0  }
0x2d: {  	s18 =	sadd.s32 $0x0, s6;
	s17 =	simm.s32 $0x14180;
	[sflag:s10] =	ssyncadd.s32 $0xFFFFF000  }
.LBB2_8:
0x2e: {  	[tilespmem:s15], [sflag:$0x2] =	stream.linear.gather [hbm4b:s18+s3], $0x80, $0x38;
	[tilespmem:$0x18000] =	vst v63  }
0x2f: {  	s18 =	smov.u32 s16;
	s15 =	smov.u32 s17;
	p0 =	sne.s32 s16, $0x1F0  }
.Ltmp5:
0x30: {  	s16 =	sadd.s32 $0x10, s16;
	(pc) =	sbr.rel @p0 .LBB2_8-.Ltmp5, $2  }
0x31: {  	_ =	sdelay $0x2  }
0x32: {  	s17 =	sadd.s32 $0x100, s17;
	s18 =	sadd.s32 s18, s6  }
0x33: {  	[tilespmem:s15], [sflag:$0x2] =	stream.linear.gather [hbm4b:s18+s3], $0x80, $0x38;
	[tilespmem:$0x18000] =	vst v63  }
0x34: {  	s15 =	simm.s32 $0x0;
	s16 =	simm.s32 $0x16080  }
0x35: {  	s17 =	simm.s32 $0x10;
	s19 =	sadd.s32 $0x0, s7;
	s18 =	simm.s32 $0x16180  }
.LBB2_10:
0x36: {  	[tilespmem:s16], [sflag:$0x4] =	stream.linear.gather [hbm4b:s19+s15], $0x80, $0x38;
	[tilespmem:$0x18000] =	vst v63  }
0x37: {  	s19 =	smov.u32 s17;
	s16 =	smov.u32 s18;
	p0 =	sne.s32 s17, $0x1F0  }
.Ltmp6:
0x38: {  	s17 =	sadd.s32 $0x10, s17;
	(pc) =	sbr.rel @p0 .LBB2_10-.Ltmp6, $2  }
0x39: {  	_ =	sdelay $0x2  }
0x3a: {  	s18 =	sadd.s32 $0x100, s18;
	s19 =	sadd.s32 s19, s7  }
0x3b: {  	[tilespmem:s16], [sflag:$0x4] =	stream.linear.gather [hbm4b:s19+s15], $0x80, $0x38;
	[tilespmem:$0x18000] =	vst v63  }
.LBB2_12:
0x3c: {  	p0 =	seq.s32 s15, $0x0  }
0x3d: {  	s16 =	simm.s32 @!p0 $0x1  }
0x3e: {  	_ =	swait.ge @!p0 [sflag:s16], $0x1000  }
0x3f: {  	[sflag:s16] =	ssyncset.done @!p0 $0x0  }
0x40: {  	[sflag:s16] =	ssyncadd.s32 @!p0 $0xFFFFF000;
	s16 =	simm.s32 @!p0 $0x3  }
0x41: {  	s17 =	simm.s32 $0x0;
	_ =	swait.ge @!p0 [sflag:s16], $0x1000  }
0x42: {  	s18 =	sand.u32 $0x60, s17;
	s17 =	sand.u32 $0x1F00, s17;
	[sflag:s16] =	ssyncset.done @!p0 $0x0  }
0x43: {  	s31 =	sor.u32 s18, s17;
	[sflag:s16] =	ssyncadd.s32 @!p0 $0xFFFFF000  }
0x44: {  	v1 =	vld [tilespmem:s31+$0x14000];
	_ =	sdelay $0x4  }
0x45: {  	v2 =	vld [tilespmem:s31+$0x16000];
	_ =	sdelay $0x2  }
0x46: {  	v3 =	vld.idx.msk [tilespmem:v1+s3+$0x0], $0xffff  }
0x47: {  	v4 =	vadd.s32 $0x2800, v1;
	_ =	sdelay $0x3  }
0x48: {  	[tilespmem:v2+s11+$0x0] =	vst.idx.add.f32.msk $0xffff, v3  }
0x49: {  	v3 =	vadd.s32 $0x2800, v2;
	v4 =	vld.idx.msk [tilespmem:v4+s3+$0x0], $0xffff  }
0x4a: {  	v5 =	vadd.s32 $0x5000, v1;
	_ =	sdelay $0x3  }
0x4b: {  	[tilespmem:v3+s11+$0x0] =	vst.idx.add.f32.msk $0xffff, v4  }
0x4c: {  	v59 =	vadd.s32 $0x5000, v2;
	v3 =	vld.idx.msk [tilespmem:v5+s3+$0x0], $0xffff  }
0x4d: {  	v1 =	vadd.s32 $0x7800, v1;
	_ =	sdelay $0x3  }
0x4e: {  	[tilespmem:v59+s11+$0x0] =	vst.idx.add.f32.msk $0xffff, v3  }
0x4f: {  	v2 =	vadd.s32 $0x7800, v2;
	v1 =	vld.idx.msk [tilespmem:v1+s3+$0x0], $0xffff;
	_ =	sdelay $0x4  }
0x50: {  	[tilespmem:v2+s11+$0x0] =	vst.idx.add.f32.msk $0xffff, v1  }
0x51: {  	v1 =	vld [tilespmem:s31+$0x14010];
	_ =	sdelay $0x4  }
0x52: {  	v2 =	vld [tilespmem:s31+$0x16010];
	_ =	sdelay $0x2  }
0x53: {  	v3 =	vld.idx.msk [tilespmem:v1+s3+$0x0], $0xffff  }
0x54: {  	v60 =	vadd.s32 $0x2800, v1;
	_ =	sdelay $0x3  }
0x55: {  	[tilespmem:v2+s11+$0x0] =	vst.idx.add.f32.msk $0xffff, v3  }
0x56: {  	v61 =	vadd.s32 $0x2800, v2;
	v3 =	vld.idx.msk [tilespmem:v60+s3+$0x0], $0xffff  }
0x57: {  	v62 =	vadd.s32 $0x5000, v1;
	_ =	sdelay $0x3  }
0x58: {  	[tilespmem:v61+s11+$0x0] =	vst.idx.add.f32.msk $0xffff, v3  }
0x59: {  	v63 =	vadd.s32 $0x5000, v2;
	v3 =	vld.idx.msk [tilespmem:v62+s3+$0x0], $0xffff  }
0x5a: {  	v1 =	vadd.s32 $0x7800, v1;
	_ =	sdelay $0x3  }
0x5b: {  	[tilespmem:v63+s11+$0x0] =	vst.idx.add.f32.msk $0xffff, v3  }
0x5c: {  	v2 =	vadd.s32 $0x7800, v2;
	v1 =	vld.idx.msk [tilespmem:v1+s3+$0x0], $0xffff  }
0x5d: {  	s19 =	simm.s32 $0x20  }
0x5e: {  	s19 =	sand.u32 $0x60, s19;
	s17 =	simm.s32 $0x40  }
0x5f: {  	s18 =	simm.s32 $0x40;
	s20 =	sand.u32 $0x1F00, s17;
	s16 =	sshll.u32 s15, $0xA  }
.LBB2_13:
0x60: {  	p0 =	sne.s32 s18, $0xFE0  }
0x61: {  	s20 =	sor.u32 s19, s20;
	[tilespmem:v2+s11+$0x0] =	vst.idx.add.f32.msk $0xffff, v1;
	s19 =	smov.u32 s18;
	s18 =	sadd.s32 $0x20, s18  }
0x62: {  	v1 =	vld [tilespmem:s20+$0x14000];
	_ =	sdelay $0x4  }
0x63: {  	v2 =	vadd.s32 $0x2800, v1;
	v3 =	vadd.s32 $0x7800, v1  }
0x64: {  	v4 =	vld [tilespmem:s20+$0x16000];
	_ =	sdelay $0x1  }
0x65: {  	v5 =	vld.idx.msk [tilespmem:v1+s3+$0x0], $0xffff;
	_ =	sdelay $0x2  }
0x66: {  	v6 =	vadd.s32 $0x2800, v4;
	_ =	sdelay $0x2  }
0x67: {  	[tilespmem:v4+s11+$0x0] =	vst.idx.add.f32.msk $0xffff, v5  }
0x68: {  	v2 =	vld.idx.msk [tilespmem:v2+s3+$0x0], $0xffff;
	_ =	sdelay $0x1  }
0x69: {  	v1 =	vadd.s32 $0x5000, v1;
	_ =	sdelay $0x3  }
0x6a: {  	[tilespmem:v6+s11+$0x0] =	vst.idx.add.f32.msk $0xffff, v2  }
0x6b: {  	v1 =	vld.idx.msk [tilespmem:v1+s3+$0x0], $0xffff  }
0x6c: {  	v2 =	vadd.s32 $0x5000, v4;
	_ =	sdelay $0x4  }
0x6d: {  	[tilespmem:v2+s11+$0x0] =	vst.idx.add.f32.msk $0xffff, v1  }
0x6e: {  	v1 =	vld.idx.msk [tilespmem:v3+s3+$0x0], $0xffff  }
0x6f: {  	v2 =	vadd.s32 $0x7800, v4;
	_ =	sdelay $0x4  }
0x70: {  	[tilespmem:v2+s11+$0x0] =	vst.idx.add.f32.msk $0xffff, v1  }
0x71: {  	v1 =	vld [tilespmem:s20+$0x14010];
	_ =	sdelay $0x5  }
0x72: {  	v2 =	vld [tilespmem:s20+$0x16010];
	_ =	sdelay $0x1  }
0x73: {  	v3 =	vld.idx.msk [tilespmem:v1+s3+$0x0], $0xffff;
	_ =	sdelay $0x1  }
0x74: {  	v4 =	vadd.s32 $0x2800, v1;
	_ =	sdelay $0x3  }
0x75: {  	[tilespmem:v2+s11+$0x0] =	vst.idx.add.f32.msk $0xffff, v3  }
0x76: {  	v3 =	vld.idx.msk [tilespmem:v4+s3+$0x0], $0xffff  }
0x77: {  	v4 =	vadd.s32 $0x2800, v2  }
0x78: {  	v5 =	vadd.s32 $0x5000, v1;
	_ =	sdelay $0x3  }
0x79: {  	[tilespmem:v4+s11+$0x0] =	vst.idx.add.f32.msk $0xffff, v3  }
0x7a: {  	v3 =	vld.idx.msk [tilespmem:v5+s3+$0x0], $0xffff  }
0x7b: {  	v4 =	vadd.s32 $0x5000, v2  }
0x7c: {  	v1 =	vadd.s32 $0x7800, v1;
	_ =	sdelay $0x3  }
0x7d: {  	[tilespmem:v4+s11+$0x0] =	vst.idx.add.f32.msk $0xffff, v3  }
0x7e: {  	v1 =	vld.idx.msk [tilespmem:v1+s3+$0x0], $0xffff  }
.Ltmp7:
0x7f: {  	v2 =	vadd.s32 $0x7800, v2;
	(pc) =	sbr.rel @p0 .LBB2_13-.Ltmp7, $3  }
0x80: {  	_ =	sdelay $0x1  }
0x81: {  	s17 =	sadd.s32 $0x40, s17  }
0x82: {  	s19 =	sand.u32 $0x60, s19;
	s20 =	sand.u32 $0x1F00, s17  }
0x83: {  	_ =	sdelay $0x3  }
0x84: {  	s17 =	sor.u32 s19, s20;
	[tilespmem:v2+s11+$0x0] =	vst.idx.add.f32.msk $0xffff, v1  }
0x85: {  	v1 =	vld [tilespmem:s17+$0x14000];
	_ =	sdelay $0x4  }
0x86: {  	v2 =	vld [tilespmem:s17+$0x16000];
	_ =	sdelay $0x2  }
0x87: {  	v3 =	vld.idx.msk [tilespmem:v1+s3+$0x0], $0xffff  }
0x88: {  	v4 =	vadd.s32 $0x2800, v1;
	_ =	sdelay $0x3  }
0x89: {  	[tilespmem:v2+s11+$0x0] =	vst.idx.add.f32.msk $0xffff, v3  }
0x8a: {  	v3 =	vadd.s32 $0x2800, v2;
	v4 =	vld.idx.msk [tilespmem:v4+s3+$0x0], $0xffff  }
0x8b: {  	v5 =	vadd.s32 $0x5000, v1;
	_ =	sdelay $0x3  }
0x8c: {  	[tilespmem:v3+s11+$0x0] =	vst.idx.add.f32.msk $0xffff, v4  }
0x8d: {  	v59 =	vadd.s32 $0x5000, v2;
	v3 =	vld.idx.msk [tilespmem:v5+s3+$0x0], $0xffff  }
0x8e: {  	v1 =	vadd.s32 $0x7800, v1;
	_ =	sdelay $0x3  }
0x8f: {  	[tilespmem:v59+s11+$0x0] =	vst.idx.add.f32.msk $0xffff, v3  }
0x90: {  	v2 =	vadd.s32 $0x7800, v2;
	v1 =	vld.idx.msk [tilespmem:v1+s3+$0x0], $0xffff;
	_ =	sdelay $0x4  }
0x91: {  	[tilespmem:v2+s11+$0x0] =	vst.idx.add.f32.msk $0xffff, v1  }
0x92: {  	v1 =	vld [tilespmem:s17+$0x14010];
	_ =	sdelay $0x4  }
0x93: {  	v2 =	vld [tilespmem:s17+$0x16010];
	_ =	sdelay $0x2  }
0x94: {  	v3 =	vld.idx.msk [tilespmem:v1+s3+$0x0], $0xffff  }
0x95: {  	v60 =	vadd.s32 $0x2800, v1;
	_ =	sdelay $0x3  }
0x96: {  	[tilespmem:v2+s11+$0x0] =	vst.idx.add.f32.msk $0xffff, v3  }
0x97: {  	v61 =	vadd.s32 $0x2800, v2;
	v3 =	vld.idx.msk [tilespmem:v60+s3+$0x0], $0xffff  }
0x98: {  	v62 =	vadd.s32 $0x5000, v1;
	_ =	sdelay $0x3  }
0x99: {  	[tilespmem:v61+s11+$0x0] =	vst.idx.add.f32.msk $0xffff, v3  }
0x9a: {  	v63 =	vadd.s32 $0x5000, v2;
	v3 =	vld.idx.msk [tilespmem:v62+s3+$0x0], $0xffff  }
0x9b: {  	v1 =	vadd.s32 $0x7800, v1;
	_ =	sdelay $0x3  }
0x9c: {  	[tilespmem:v63+s11+$0x0] =	vst.idx.add.f32.msk $0xffff, v3  }
0x9d: {  	p0 =	seq.s32 s15, $0x27;
	v2 =	vadd.s32 $0x7800, v2;
	v1 =	vld.idx.msk [tilespmem:v1+s3+$0x0], $0xffff  }
.Ltmp8:
0x9e: {  	_ = 	snop;
	(pc) =	sbr.rel @p0 .LBB2_20-.Ltmp8, $2  }
0x9f: {  	_ =	sdelay $0x2  }
0xa0: {  	[tilespmem:v2+s11+$0x0] =	vst.idx.add.f32.msk $0xffff, v1  }
0xa1: {  	s17 =	sadd.s32 $0x400, s16  }
0xa2: {  	s19 =	simm.s32 $0x14000;
	s18 =	sadd.s32 s4, s17  }
0xa3: {  	s20 =	simm.s32 $0x10;
	s21 =	simm.s32 $0x14100;
	s22 =	sadd.s32 $0x0, s18  }
.LBB2_16:
0xa4: {  	[tilespmem:s19], [sflag:$0x1] =	stream.linear.gather [hbm4b:s22+s3], $0x80, $0x38;
	[tilespmem:$0x18000] =	vst v63  }
0xa5: {  	s22 =	smov.u32 s20;
	s19 =	smov.u32 s21;
	p1 =	sne.s32 s20, $0x1F0  }
.Ltmp9:
0xa6: {  	s20 =	sadd.s32 $0x10, s20;
	(pc) =	sbr.rel @p1 .LBB2_16-.Ltmp9, $2  }
0xa7: {  	_ =	sdelay $0x2  }
0xa8: {  	s21 =	sadd.s32 $0x100, s21;
	s22 =	sadd.s32 s22, s18  }
0xa9: {  	[tilespmem:s19], [sflag:$0x1] =	stream.linear.gather [hbm4b:s22+s3], $0x80, $0x38;
	[tilespmem:$0x18000] =	vst v63  }
0xaa: {  	s17 =	sadd.s32 s2, s17;
	s18 =	simm.s32 $0x16000  }
0xab: {  	s19 =	simm.s32 $0x10;
	s20 =	simm.s32 $0x16100;
	s21 =	sadd.s32 $0x0, s17  }
.LBB2_18:
0xac: {  	[tilespmem:s18], [sflag:$0x3] =	stream.linear.gather [hbm4b:s21+s3], $0x80, $0x38;
	[tilespmem:$0x18000] =	vst v63  }
0xad: {  	s21 =	smov.u32 s19;
	s18 =	smov.u32 s20;
	p1 =	sne.s32 s19, $0x1F0  }
.Ltmp10:
0xae: {  	s19 =	sadd.s32 $0x10, s19;
	(pc) =	sbr.rel @p1 .LBB2_18-.Ltmp10, $2  }
0xaf: {  	_ =	sdelay $0x2  }
0xb0: {  	s20 =	sadd.s32 $0x100, s20;
	s21 =	sadd.s32 s21, s17  }
0xb1: {  	[tilespmem:s18], [sflag:$0x3] =	stream.linear.gather [hbm4b:s21+s3], $0x80, $0x38;
	[tilespmem:$0x18000] =	vst v63  }
.LBB2_20:
0xb2: {  	_ =	swait.ge [sflag:s12], $0x1000  }
0xb3: {  	[sflag:s12] =	ssyncset.done $0x0  }
0xb4: {  	[sflag:s12] =	ssyncadd.s32 $0xFFFFF000  }
0xb5: {  	s17 =	simm.s32 $0x0;
	_ =	swait.ge [sflag:s13], $0x1000  }
0xb6: {  	s18 =	sand.u32 $0x60, s17;
	s17 =	sand.u32 $0x1F00, s17;
	[sflag:s13] =	ssyncset.done $0x0  }
0xb7: {  	s17 =	sor.u32 s18, s17;
	[sflag:s13] =	ssyncadd.s32 $0xFFFFF000  }
0xb8: {  	v1 =	vld [tilespmem:s17+$0x14080];
	_ =	sdelay $0x4  }
0xb9: {  	v2 =	vld [tilespmem:s17+$0x16080];
	_ =	sdelay $0x2  }
0xba: {  	v3 =	vld.idx.msk [tilespmem:v1+s3+$0x0], $0xffff  }
0xbb: {  	v4 =	vadd.s32 $0x2800, v1;
	_ =	sdelay $0x3  }
0xbc: {  	[tilespmem:v2+s11+$0x0] =	vst.idx.add.f32.msk $0xffff, v3  }
0xbd: {  	v3 =	vadd.s32 $0x2800, v2;
	v4 =	vld.idx.msk [tilespmem:v4+s3+$0x0], $0xffff  }
0xbe: {  	v5 =	vadd.s32 $0x5000, v1;
	_ =	sdelay $0x3  }
0xbf: {  	[tilespmem:v3+s11+$0x0] =	vst.idx.add.f32.msk $0xffff, v4  }
0xc0: {  	v59 =	vadd.s32 $0x5000, v2;
	v3 =	vld.idx.msk [tilespmem:v5+s3+$0x0], $0xffff  }
0xc1: {  	v1 =	vadd.s32 $0x7800, v1;
	_ =	sdelay $0x3  }
0xc2: {  	[tilespmem:v59+s11+$0x0] =	vst.idx.add.f32.msk $0xffff, v3  }
0xc3: {  	v2 =	vadd.s32 $0x7800, v2;
	v1 =	vld.idx.msk [tilespmem:v1+s3+$0x0], $0xffff;
	_ =	sdelay $0x4  }
0xc4: {  	[tilespmem:v2+s11+$0x0] =	vst.idx.add.f32.msk $0xffff, v1  }
0xc5: {  	v1 =	vld [tilespmem:s17+$0x14090];
	_ =	sdelay $0x4  }
0xc6: {  	v2 =	vld [tilespmem:s17+$0x16090];
	_ =	sdelay $0x2  }
0xc7: {  	v3 =	vld.idx.msk [tilespmem:v1+s3+$0x0], $0xffff  }
0xc8: {  	v60 =	vadd.s32 $0x2800, v1;
	_ =	sdelay $0x3  }
0xc9: {  	[tilespmem:v2+s11+$0x0] =	vst.idx.add.f32.msk $0xffff, v3  }
0xca: {  	v61 =	vadd.s32 $0x2800, v2;
	v3 =	vld.idx.msk [tilespmem:v60+s3+$0x0], $0xffff  }
0xcb: {  	v62 =	vadd.s32 $0x5000, v1;
	_ =	sdelay $0x3  }
0xcc: {  	[tilespmem:v61+s11+$0x0] =	vst.idx.add.f32.msk $0xffff, v3  }
0xcd: {  	v63 =	vadd.s32 $0x5000, v2;
	v3 =	vld.idx.msk [tilespmem:v62+s3+$0x0], $0xffff  }
0xce: {  	v1 =	vadd.s32 $0x7800, v1;
	_ =	sdelay $0x3  }
0xcf: {  	[tilespmem:v63+s11+$0x0] =	vst.idx.add.f32.msk $0xffff, v3  }
0xd0: {  	v2 =	vadd.s32 $0x7800, v2;
	v1 =	vld.idx.msk [tilespmem:v1+s3+$0x0], $0xffff;
	_ =	sdelay $0x1  }
0xd1: {  	s19 =	simm.s32 $0x20;
	s17 =	simm.s32 $0x40  }
0xd2: {  	s19 =	sand.u32 $0x60, s19;
	s18 =	simm.s32 $0x40;
	s20 =	sand.u32 $0x1F00, s17  }
.LBB2_21:
0xd3: {  	p1 =	sne.s32 s18, $0xFE0  }
0xd4: {  	s20 =	sor.u32 s19, s20;
	[tilespmem:v2+s11+$0x0] =	vst.idx.add.f32.msk $0xffff, v1;
	s19 =	smov.u32 s18;
	s18 =	sadd.s32 $0x20, s18  }
0xd5: {  	v1 =	vld [tilespmem:s20+$0x14080];
	_ =	sdelay $0x4  }
0xd6: {  	v2 =	vadd.s32 $0x2800, v1;
	v3 =	vadd.s32 $0x7800, v1  }
0xd7: {  	v4 =	vld [tilespmem:s20+$0x16080];
	_ =	sdelay $0x1  }
0xd8: {  	v5 =	vld.idx.msk [tilespmem:v1+s3+$0x0], $0xffff;
	_ =	sdelay $0x2  }
0xd9: {  	v6 =	vadd.s32 $0x2800, v4;
	_ =	sdelay $0x2  }
0xda: {  	[tilespmem:v4+s11+$0x0] =	vst.idx.add.f32.msk $0xffff, v5  }
0xdb: {  	v2 =	vld.idx.msk [tilespmem:v2+s3+$0x0], $0xffff;
	_ =	sdelay $0x1  }
0xdc: {  	v1 =	vadd.s32 $0x5000, v1;
	_ =	sdelay $0x3  }
0xdd: {  	[tilespmem:v6+s11+$0x0] =	vst.idx.add.f32.msk $0xffff, v2  }
0xde: {  	v1 =	vld.idx.msk [tilespmem:v1+s3+$0x0], $0xffff  }
0xdf: {  	v2 =	vadd.s32 $0x5000, v4;
	_ =	sdelay $0x4  }
0xe0: {  	[tilespmem:v2+s11+$0x0] =	vst.idx.add.f32.msk $0xffff, v1  }
0xe1: {  	v1 =	vld.idx.msk [tilespmem:v3+s3+$0x0], $0xffff  }
0xe2: {  	v2 =	vadd.s32 $0x7800, v4;
	_ =	sdelay $0x4  }
0xe3: {  	[tilespmem:v2+s11+$0x0] =	vst.idx.add.f32.msk $0xffff, v1  }
0xe4: {  	v1 =	vld [tilespmem:s20+$0x14090];
	_ =	sdelay $0x5  }
0xe5: {  	v2 =	vld [tilespmem:s20+$0x16090];
	_ =	sdelay $0x1  }
0xe6: {  	v3 =	vld.idx.msk [tilespmem:v1+s3+$0x0], $0xffff;
	_ =	sdelay $0x1  }
0xe7: {  	v4 =	vadd.s32 $0x2800, v1;
	_ =	sdelay $0x3  }
0xe8: {  	[tilespmem:v2+s11+$0x0] =	vst.idx.add.f32.msk $0xffff, v3  }
0xe9: {  	v3 =	vld.idx.msk [tilespmem:v4+s3+$0x0], $0xffff  }
0xea: {  	v4 =	vadd.s32 $0x2800, v2  }
0xeb: {  	v5 =	vadd.s32 $0x5000, v1;
	_ =	sdelay $0x3  }
0xec: {  	[tilespmem:v4+s11+$0x0] =	vst.idx.add.f32.msk $0xffff, v3  }
0xed: {  	v3 =	vld.idx.msk [tilespmem:v5+s3+$0x0], $0xffff  }
0xee: {  	v4 =	vadd.s32 $0x5000, v2  }
0xef: {  	v1 =	vadd.s32 $0x7800, v1;
	_ =	sdelay $0x3  }
0xf0: {  	[tilespmem:v4+s11+$0x0] =	vst.idx.add.f32.msk $0xffff, v3  }
0xf1: {  	v1 =	vld.idx.msk [tilespmem:v1+s3+$0x0], $0xffff  }
.Ltmp11:
0xf2: {  	v2 =	vadd.s32 $0x7800, v2;
	(pc) =	sbr.rel @p1 .LBB2_21-.Ltmp11, $3  }
0xf3: {  	_ =	sdelay $0x1  }
0xf4: {  	s17 =	sadd.s32 $0x40, s17  }
0xf5: {  	s19 =	sand.u32 $0x60, s19;
	s20 =	sand.u32 $0x1F00, s17  }
0xf6: {  	_ =	sdelay $0x3  }
0xf7: {  	s17 =	sor.u32 s19, s20;
	[tilespmem:v2+s11+$0x0] =	vst.idx.add.f32.msk $0xffff, v1  }
0xf8: {  	v1 =	vld [tilespmem:s17+$0x14080];
	_ =	sdelay $0x4  }
0xf9: {  	v2 =	vld [tilespmem:s17+$0x16080];
	_ =	sdelay $0x2  }
0xfa: {  	v3 =	vld.idx.msk [tilespmem:v1+s3+$0x0], $0xffff  }
0xfb: {  	v4 =	vadd.s32 $0x2800, v1;
	_ =	sdelay $0x3  }
0xfc: {  	[tilespmem:v2+s11+$0x0] =	vst.idx.add.f32.msk $0xffff, v3  }
0xfd: {  	v3 =	vadd.s32 $0x2800, v2;
	v4 =	vld.idx.msk [tilespmem:v4+s3+$0x0], $0xffff  }
0xfe: {  	v5 =	vadd.s32 $0x5000, v1;
	_ =	sdelay $0x3  }
0xff: {  	[tilespmem:v3+s11+$0x0] =	vst.idx.add.f32.msk $0xffff, v4  }
0x100: {  	v59 =	vadd.s32 $0x5000, v2;
	v3 =	vld.idx.msk [tilespmem:v5+s3+$0x0], $0xffff  }
0x101: {  	v1 =	vadd.s32 $0x7800, v1;
	_ =	sdelay $0x3  }
0x102: {  	[tilespmem:v59+s11+$0x0] =	vst.idx.add.f32.msk $0xffff, v3  }
0x103: {  	v2 =	vadd.s32 $0x7800, v2;
	v1 =	vld.idx.msk [tilespmem:v1+s3+$0x0], $0xffff;
	_ =	sdelay $0x4  }
0x104: {  	[tilespmem:v2+s11+$0x0] =	vst.idx.add.f32.msk $0xffff, v1  }
0x105: {  	v1 =	vld [tilespmem:s17+$0x14090];
	_ =	sdelay $0x4  }
0x106: {  	v2 =	vld [tilespmem:s17+$0x16090];
	_ =	sdelay $0x2  }
0x107: {  	v3 =	vld.idx.msk [tilespmem:v1+s3+$0x0], $0xffff  }
0x108: {  	v60 =	vadd.s32 $0x2800, v1;
	_ =	sdelay $0x3  }
0x109: {  	[tilespmem:v2+s11+$0x0] =	vst.idx.add.f32.msk $0xffff, v3  }
0x10a: {  	v61 =	vadd.s32 $0x2800, v2;
	v3 =	vld.idx.msk [tilespmem:v60+s3+$0x0], $0xffff  }
0x10b: {  	v62 =	vadd.s32 $0x5000, v1;
	_ =	sdelay $0x3  }
0x10c: {  	[tilespmem:v61+s11+$0x0] =	vst.idx.add.f32.msk $0xffff, v3  }
0x10d: {  	v63 =	vadd.s32 $0x5000, v2;
	v3 =	vld.idx.msk [tilespmem:v62+s3+$0x0], $0xffff  }
0x10e: {  	v1 =	vadd.s32 $0x7800, v1;
	_ =	sdelay $0x3  }
0x10f: {  	[tilespmem:v63+s11+$0x0] =	vst.idx.add.f32.msk $0xffff, v3  }
0x110: {  	v2 =	vadd.s32 $0x7800, v2;
	v1 =	vld.idx.msk [tilespmem:v1+s3+$0x0], $0xffff  }
.Ltmp12:
0x111: {  	_ = 	snop;
	(pc) =	sbr.rel @p0 .LBB2_28-.Ltmp12, $2  }
0x112: {  	_ =	sdelay $0x2  }
0x113: {  	[tilespmem:v2+s11+$0x0] =	vst.idx.add.f32.msk $0xffff, v1  }
0x114: {  	s16 =	sadd.s32 $0x600, s16  }
0x115: {  	s18 =	simm.s32 $0x14080;
	s17 =	sadd.s32 s4, s16  }
0x116: {  	s19 =	simm.s32 $0x10;
	s20 =	simm.s32 $0x14180;
	s21 =	sadd.s32 $0x0, s17  }
.LBB2_24:
0x117: {  	[tilespmem:s18], [sflag:$0x2] =	stream.linear.gather [hbm4b:s21+s3], $0x80, $0x38;
	[tilespmem:$0x18000] =	vst v63  }
0x118: {  	s21 =	smov.u32 s19;
	s18 =	smov.u32 s20;
	p0 =	sne.s32 s19, $0x1F0  }
.Ltmp13:
0x119: {  	s19 =	sadd.s32 $0x10, s19;
	(pc) =	sbr.rel @p0 .LBB2_24-.Ltmp13, $2  }
0x11a: {  	_ =	sdelay $0x2  }
0x11b: {  	s20 =	sadd.s32 $0x100, s20;
	s21 =	sadd.s32 s21, s17  }
0x11c: {  	[tilespmem:s18], [sflag:$0x2] =	stream.linear.gather [hbm4b:s21+s3], $0x80, $0x38;
	[tilespmem:$0x18000] =	vst v63  }
0x11d: {  	s16 =	sadd.s32 s2, s16;
	s17 =	simm.s32 $0x16080  }
0x11e: {  	s18 =	simm.s32 $0x10;
	s19 =	simm.s32 $0x16180;
	s20 =	sadd.s32 $0x0, s16  }
.LBB2_26:
0x11f: {  	[tilespmem:s17], [sflag:$0x4] =	stream.linear.gather [hbm4b:s20+s3], $0x80, $0x38;
	[tilespmem:$0x18000] =	vst v63  }
0x120: {  	s20 =	smov.u32 s18;
	s17 =	smov.u32 s19;
	p0 =	sne.s32 s18, $0x1F0  }
.Ltmp14:
0x121: {  	s18 =	sadd.s32 $0x10, s18;
	(pc) =	sbr.rel @p0 .LBB2_26-.Ltmp14, $2  }
0x122: {  	_ =	sdelay $0x2  }
0x123: {  	s19 =	sadd.s32 $0x100, s19;
	s20 =	sadd.s32 s20, s16  }
.Ltmp15:
0x124: {  	(pc) =	sbr.rel .LBB2_12-.Ltmp15, $3  }
0x125: {  	_ =	sdelay $0x1  }
0x126: {  	[tilespmem:s17], [sflag:$0x4] =	stream.linear.gather [hbm4b:s20+s3], $0x80, $0x38;
	[tilespmem:$0x18000] =	vst v63  }
0x127: {  	s15 =	sadd.s32 $0x1, s15  }
.LBB2_29:
0x128: {  	_ =	sfence.sel $0x180000  }
0x129: {  	[bflag:$0x0] =	sbarrier.arrive $0xFFFF  }
0x12a: {  	p0 =	sne.s32 s0, $0x0;
	_ =	strace $0x9000004A  }
0x12b: {  	s0 =	sadd.s32 @!p0 $0x100000, s1;
	[bflag:$0x2] =	sbarrier.arrive $0xFFFF  }
0x12c: {  	[sflag:s0] =	ssyncadd.tile.s32 @!p0 $0x1;
	_ =	shalt  }
.Lfunc_end2:
_tile_overlayer_lowered:
.L_overlay_start_2:
0x12d: {  	(tag) =	ssettag $0x2  }
0x12e: {  	s0 =	rddreg [dreg:$0x0];
	s2 =	stileid.u32  }
0x12f: {  	s1 =	rddreg [dreg:$0x1];
	p0 =	sne.s32 s2, $0x0  }
0x130: {  	s3 =	rddreg [dreg:$0x2];
	[bflag:$0x3] =	sbarrier.arrive $0xFFFF;
	s2 =	simm.s32 @!p0 $0x1C05  }
0x131: {  	[timem:s3], [sflag:s2] =	dma.local @!p0 [hbm:s0], s1  }
0x132: {  	s0 =	simm.s32 @!p0 $0x5  }
0x133: {  	_ =	swait.ge @!p0 [sflag:s0], s1  }
0x134: {  	s1 =	ssub.s32 @!p0 $0x0, s1;
	[sflag:s0] =	ssyncset.done @!p0 $0x0  }
0x135: {  	[sflag:s0] =	ssyncadd.s32 @!p0 s1  }
0x136: {  	[bflag:$0x3] =	sbarrier.arrive $0xFFFF  }
0x137: {  	_ =	shalt  }

// kernel: kernel.14.cloned.1.call-start
scs
__scs_entry_jumppad:
0x0: {  	(pc) =	sbr.rel $0x88, $3  }
0x1: {  	(tag) =	ssettag $0x0;
	lr =	simm.s32 $0x1  }
0x2: {  	[smem:$0x3F9B] =	sst lr;
	_ =	strace $0xD0000000  }
0x3: {  	_ = 	snop  }
0x4: {  	_ = 	snop  }
0x5: {  	_ = 	snop  }
0x6: {  	_ = 	snop  }
0x7: {  	_ = 	snop  }
__scs_overlays_trampoline_lowered:
0x8: {  	[smem:$0x3FAA] =	sst s0  }
0x9: {  	[smem:$0x3FAB] =	sst s1  }
0xa: {  	[smem:$0x3FAC] =	sst s2  }
0xb: {  	[smem:$0x3FAD] =	sst s3  }
0xc: {  	[smem:$0x3FAE] =	sst s4  }
0xd: {  	[smem:$0x3FAF] =	sst s5  }
0xe: {  	[smem:$0x3FB0] =	sst s6  }
0xf: {  	[smem:$0x3FB1] =	sst s7  }
0x10: {  	[smem:$0x3FB2] =	sst s8  }
0x11: {  	[smem:$0x3FB3] =	sst s9;
	s0 =	simm.s32 @!p0 $0x0  }
0x12: {  	s1 =	sld [smem:$0x3F99];
	s0 =	simm.s32 @p0 $0x1  }
0x13: {  	[smem:$0x3FB4] =	sst s0;
	s0 =	simm.s32 @!p1 $0x0  }
0x14: {  	s2 =	sld [smem:$0x3F98];
	s0 =	simm.s32 @p1 $0x1  }
0x15: {  	[smem:$0x3FB5] =	sst s0;
	s0 =	simm.s32 @!p2 $0x0  }
0x16: {  	s3 =	sld [smem:$0x3FDB];
	s0 =	simm.s32 @p2 $0x1  }
0x17: {  	s4 =	simm.s32 $0x1BF5;
	[smem:$0x3FB7] =	sst s0  }
0x18: {  	s0 =	sld [smem:$0x3F9A];
	_ =	swait.ge [sflag:s4], $0x0  }
0x19: {  	s7 =	sld [smem:$0x3F9B]  }
0x1a: {  	s8 =	sadd.s32 $0xFFFFE003, lr  }
0x1b: {  	s9 =	sadd.s32 $0xFFFFFEF7, lr;
	s5 =	simm.s32 $0xFFFFFFFF;
	p2 =	slt.u32 s8, $0xFFFFF086  }
0x1c: {  	p1 =	slt.u32 s9, $0xF7A;
	s5 =	simm.s32 @!p2 $0x0  }
0x1d: {  	s5 =	simm.s32 @p1 $0x1;
	p0 =	seq.s32 s7, s2  }
0x1e: {  	s7 =	smul.u32 @!p0 $0xF7A, s2;
	p2 =	seq.s32 @!p0 s5, $0x0  }
0x1f: {  	s9 =	smul.u32 $0xF7A, s1;
	s8 =	simm.s32 @!p0 $0x1BF5;
	p2 =	por !p2, p0  }
0x20: {  	[sflag:s8] =	ssyncset.s32 @!p0 $0xFFFFF086;
	s6 =	sadd.s32 @!p0 s3, s7;
	s7 =	simm.s32 @!p0 $0x108  }
0x21: {  	s3 =	sadd.s32 s3, s9;
	s6 =	sadd.s32 @!p0 $0x88, s6;
	s7 =	simm.s32 @p2 $0x1082  }
0x22: {  	[simem:s7], [sflag:s8] =	dma.local @!p0 [hbm:s6], $0xF7A  }
0x23: {  	s9 =	sor.u32 $0xD0000000, s2;
	s6 =	simm.s32 $0x108;
	_ =	swait.ge @!p0 [sflag:s8], $0x0  }
0x24: {  	s3 =	sadd.s32 $0x88, s3;
	s6 =	simm.s32 @!p1 $0x1082;
	[sflag:s4] =	ssyncset.s32 $0xFFFFF086  }
0x25: {  	[simem:s6], [sflag:s4] =	dma.local [hbm:s3], $0xF7A  }
0x26: {  	[smem:$0x3F9B] =	sst s1;
	(tag) =	ssettag s2;
	_ =	strace s9  }
0x27: {  	s1 =	sld [smem:$0x3FAB]  }
0x28: {  	s2 =	sld [smem:$0x3FAC]  }
0x29: {  	s4 =	sld [smem:$0x3FAE]  }
0x2a: {  	p0 =	seq.s32 s5, $0x0;
	s5 =	sld [smem:$0x3FAF]  }
0x2b: {  	s6 =	sld [smem:$0x3FB0]  }
0x2c: {  	s7 =	sld [smem:$0x3FB1]  }
0x2d: {  	s3 =	simm.s32 $0x108;
	s8 =	sld [smem:$0x3FB2]  }
0x2e: {  	s3 =	simm.s32 @!p0 $0x1082;
	s9 =	sld [smem:$0x3FB3]  }
0x2f: {  	lr =	sadd.s32 s0, s3;
	s0 =	sld [smem:$0x3FAA]  }
0x30: {  	s3 =	sld [smem:$0x3FAD]  }
0x31: {  	[smem:$0x3FB6] =	sst s10  }
0x32: {  	s10 =	sld [smem:$0x3FB4];
	_ =	sdelay $0x3  }
0x33: {  	p0 =	seq.s32 s10, $0x1;
	s10 =	sld [smem:$0x3FB6];
	_ =	sdelay $0x3  }
0x34: {  	[smem:$0x3FB6] =	sst s10  }
0x35: {  	s10 =	sld [smem:$0x3FB5];
	_ =	sdelay $0x3  }
0x36: {  	p1 =	seq.s32 s10, $0x1;
	s10 =	sld [smem:$0x3FB6];
	_ =	sdelay $0x3  }
0x37: {  	[smem:$0x3FB6] =	sst s10  }
0x38: {  	s10 =	sld [smem:$0x3FB7]  }
0x39: {  	_ = 	snop;
	(pc) =	sbr.ind lr, $3  }
0x3a: {  	_ = 	snop  }
0x3b: {  	_ = 	snop  }
0x3c: {  	p2 =	seq.s32 s10, $0x1;
	s10 =	sld [smem:$0x3FB6]  }
0x3d: {  	_ =	shalt  }
0x3e: {  	_ =	shalt  }
0x3f: {  	_ =	shalt  }
0x40: {  	_ =	shalt  }
0x41: {  	_ =	shalt  }
0x42: {  	_ =	shalt  }
0x43: {  	_ =	shalt  }
0x44: {  	_ =	shalt  }
0x45: {  	_ =	shalt  }
0x46: {  	_ =	shalt  }
0x47: {  	_ =	shalt  }
0x48: {  	_ =	shalt  }
0x49: {  	_ =	shalt  }
0x4a: {  	_ =	shalt  }
0x4b: {  	_ =	shalt  }
0x4c: {  	_ =	shalt  }
0x4d: {  	_ =	shalt  }
0x4e: {  	_ =	shalt  }
0x4f: {  	_ =	shalt  }
0x50: {  	_ =	shalt  }
0x51: {  	_ =	shalt  }
0x52: {  	_ =	shalt  }
0x53: {  	_ =	shalt  }
0x54: {  	_ =	shalt  }
0x55: {  	_ =	shalt  }
0x56: {  	_ =	shalt  }
0x57: {  	_ =	shalt  }
0x58: {  	_ =	shalt  }
0x59: {  	_ =	shalt  }
0x5a: {  	_ =	shalt  }
0x5b: {  	_ =	shalt  }
0x5c: {  	_ =	shalt  }
0x5d: {  	_ =	shalt  }
0x5e: {  	_ =	shalt  }
0x5f: {  	_ =	shalt  }
0x60: {  	_ =	shalt  }
0x61: {  	_ =	shalt  }
0x62: {  	_ =	shalt  }
0x63: {  	_ =	shalt  }
0x64: {  	_ =	shalt  }
0x65: {  	_ =	shalt  }
0x66: {  	_ =	shalt  }
0x67: {  	_ =	shalt  }
0x68: {  	_ =	shalt  }
0x69: {  	_ =	shalt  }
0x6a: {  	_ =	shalt  }
0x6b: {  	_ =	shalt  }
0x6c: {  	_ =	shalt  }
0x6d: {  	_ =	shalt  }
0x6e: {  	_ =	shalt  }
0x6f: {  	_ =	shalt  }
0x70: {  	_ =	shalt  }
0x71: {  	_ =	shalt  }
0x72: {  	_ =	shalt  }
0x73: {  	_ =	shalt  }
0x74: {  	_ =	shalt  }
0x75: {  	_ =	shalt  }
0x76: {  	_ =	shalt  }
0x77: {  	_ =	shalt  }
0x78: {  	_ =	shalt  }
0x79: {  	_ =	shalt  }
0x7a: {  	_ =	shalt  }
0x7b: {  	_ =	shalt  }
0x7c: {  	_ =	shalt  }
0x7d: {  	_ =	shalt  }
0x7e: {  	_ =	shalt  }
0x7f: {  	_ =	shalt  }
0x80: {  	_ =	shalt  }
0x81: {  	_ =	shalt  }
0x82: {  	_ =	shalt  }
0x83: {  	_ =	shalt  }
0x84: {  	_ =	shalt  }
0x85: {  	_ =	shalt  }
0x86: {  	_ =	shalt  }
0x87: {  	_ =	shalt  }
.Lfunc_end0:
.L_simem_size_0:
called_computation.2_lowered:
.L_overlay_start_0:
0x88: {  	s2 =	sld [smem:$0x3FD9]  }
0x89: {  	s3 =	sld [smem:$0x3FFE];
	_ =	sdelay $0x1  }
0x8a: {  	s1 =	srdreg.scid  }
0x8b: {  	s0 =	sand.u32 $0x1, s1  }
0x8c: {  	s17 =	sshll.u32 s0, $0xA;
	s2 =	sadd.s32 s3, s2  }
0x8d: {  	s2 =	sadd.s32 s2, s17  }
0x8e: {  	[smem:$0x3FC2] =	sst s2  }
0x8f: {  	_ = 	snop  }
0x90: {  	s2 =	sld [smem:$0x3FD0];
	(tm) =	ssettm $0x1  }
0x91: {  	s18 =	sld [smem:$0x3FFB];
	_ =	sdelay $0x3  }
0x92: {  	_ =	strace s18  }
0x93: {  	s3 =	sld [smem:$0x3FFC];
	_ =	sdelay $0x3  }
0x94: {  	_ =	strace s3  }
0x95: {  	s3 =	sld [smem:$0x3FFD];
	_ =	sdelay $0x3  }
0x96: {  	_ =	strace s3  }
0x97: {  	_ =	strace $0x8FFFFFFF  }
0x98: {  	s19 =	sld [smem:$0x3FDB];
	_ =	sdelay $0x1  }
0x99: {  	s4 =	simm.s32 $_scs_section_size  }
0x9a: {  	s5 =	simm.s32 $_size__tile_overlayer_lowered;
	s6 =	simm.s32 $_tile_overlayer_lowered  }
0x9b: {  	s22 =	simm.s32 $0x1BFF;
	s21 =	sshll.u32 s6, $0x1;
	s3 =	sadd.s32 s4, s19  }
0x9c: {  	s7 =	simm.s32 $0x0;
	s20 =	sshll.u32 s5, $0x1;
	s5 =	sadd.s32 s21, s3  }
0x9d: {  	[timem:s7], [sflag:s22] =	dma.local [hbm:s5], s20  }
0x9e: {  	_ =	swait.ge [sflag:s22], s20  }
0x9f: {  	s4 =	ssub.s32 $0x0, s20;
	[sflag:s22] =	ssyncset.done $0x0  }
0xa0: {  	[sflag:s22] =	ssyncadd.s32 s4;
	_ =	sdelay $0x1  }
0xa1: {  	s23 =	simm.s32 $0x1B8B  }
0xa2: {  	_ =	swait.ge [sflag:s23], $0x1  }
0xa3: {  	[sflag:s23] =	ssyncset.done $0x0  }
0xa4: {  	s25 =	simm.s32 $0x1B8E;
	s24 =	sld [smem:$0x3FFE];
	[sflag:s23] =	ssyncadd.s32 $0xFFFFFFFF  }
0xa5: {  	s26 =	simm.s32 $execute0_lowered;
	[smem:$0x3FD2] =	sst s25  }
0xa6: {  	s5 =	sshll.u32 s26, $0x1;
	_ =	strace $0x8000004C;
	[dreg:$0x1] =	wrdreg $0xFFFFFFFF  }
0xa7: {  	s28 =	simm.s32 $_size_execute0_lowered;
	s3 =	sadd.s32 s3, s5;
	[dreg:$0x0] =	wrdreg $0x0  }
0xa8: {  	s5 =	sshll.u32 s28, $0x1;
	[dreg:$0x2] =	wrdreg s3  }
0xa9: {  	[dreg:$0x3] =	wrdreg s5  }
0xaa: {  	[dreg:$0x4] =	wrdreg $0xC0  }
0xab: {  	_ =	task [dreg:s7], $0x5FFFF  }
0xac: {  	[dreg:$0x1] =	wrdreg $0xFFFFFFFF  }
0xad: {  	[dreg:$0x0] =	wrdreg $0x60  }
0xae: {  	[dreg:$0x2] =	wrdreg s24  }
0xaf: {  	[dreg:$0x3] =	wrdreg s2  }
0xb0: {  	[dreg:$0x4] =	wrdreg $0x9  }
0xb1: {  	_ =	task.clear_ibuf [dreg:s7], $0x5FFFF;
	_ =	strace $0x9000004C  }
0xb2: {  	s29 =	simm.s32 $0x9;
	_ =	strace $0x8000004E  }
0xb3: {  	_ =	swait.ge [sflag:s29], $0x1  }
0xb4: {  	[sflag:s29] =	ssyncadd.s32 $0xFFFFFFFF  }
0xb5: {  	_ =	strace $0x9000004E  }
0xb6: {  	_ =	sfence  }
0xb7: {  	s30 =	sld [smem:$0x0];
	_ =	sdelay $0x2  }
0xb8: {  	s31 =	sshll.u32 s1, $0xD;
	s1 =	sshrl.u32 s1, $0x2  }
0xb9: {  	s3 =	sand.u32 $0x4000, s31;
	s1 =	sadd.s32 s1, s30  }
0xba: {  	s0 =	sor.u32 s3, s0;
	s1 =	sshll.u32 s1, $0x11  }
0xbb: {  	s0 =	sor.u32 s1, s0  }
0xbc: {  	s0 =	sadd.s32 $0x8F2B, s0  }
0xbd: {  	[sflag:s0] =	ssyncadd.remote.s32 $0x1  }
0xbe: {  	_ =	sfence.sel $0xFFFF  }
0xbf: {  	[dreg:$0x0] =	wrdreg $0xFFFFFFFF;
	(pc) =	sbr.abs _section_cstart, $3  }
0xc0: {  	[dreg:$0x1] =	wrdreg $0xFFFFFFFF  }
0xc1: {  	_ =	task.clear_ibuf [dreg:s7], $0x2FFFF;
	_ =	strace $0x9FFFFFFF  }
0xc2: {  	(tm) =	ssettm $0x7FFFFFFF  }
0xc3: {  	_ =	shalt  }
tec
execute0_lowered:
.L_overlay_start_1:
0x0: {  	(tag) =	ssettag $0x1  }
0x1: {  	s6 =	rddreg [dreg:$0x0]  }
0x2: {  	s0 =	srdreg.scid;
	s2 =	rddreg [dreg:$0x1];
	s3 =	simm.s32 $0x0  }
0x3: {  	s10 =	simm.s32 $0x5;
	s11 =	simm.s32 $0xA000;
	s12 =	simm.s32 $0x2  }
0x4: {  	s13 =	simm.s32 $0x4;
	s14 =	simm.s32 $0x0;
	s4 =	sand.u32 $0x1, s0  }
0x5: {  	s0 =	stileid.u32;
	[smem:$0x7FF] =	sst s3;
	s1 =	sshll.u32 s4, $0x4  }
.Ltmp0:
0x6: {  	s7 =	ssub.s32 $0x2, s4;
	s5 =	sor.u32 s0, s1;
	(pc) =	sbr.rel .LBB2_1-.Ltmp0, $4  }
0x7: {  	s4 =	sadd.s32 $0xB800, s6;
	s31 =	sshrl.u32 s7, $0x1;
	s5 =	smul.u32 $0x1400, s5  }
0x8: {  	s1 =	rddreg [dreg:$0x2];
	_ =	strace $0x8000004D;
	s9 =	ssub.s32 s7, s31  }
0x9: {  	s7 =	sadd.s32 $0x200, s2;
	s9 =	smax.u32 s9, $0x1;
	s8 =	sadd.s32 s5, s6  }
0xa: {  	v0 =	vimm.f32 $0.0e+00;
	s6 =	sadd.s32 $0xBA00, s6;
	s5 =	sadd.s32 $0x15800, s8;
	s8 =	sadd.s32 $0x3D800, s8  }
.LBB2_28:
0xb: {  	s14 =	sadd.s32 $0x1, s14  }
0xc: {  	p0 =	sne.s32 s14, s9  }
.Ltmp1:
0xd: {  	_ = 	snop;
	(pc) =	sbr.rel @!p0 .LBB2_29-.Ltmp1, $4  }
0xe: {  	[hbm4b:s8+s3] =	stream.linear.scatter [tilespmem:s11], [sflag:$0x5], $0xA000, $0x38;
	[tilespmem:$0x18000] =	vst v63  }
0xf: {  	_ =	swait.ge [sflag:s10], $0xA000  }
0x10: {  	[sflag:s10] =	ssyncset.done $0x0  }
0x11: {  	[sflag:s10] =	ssyncadd.s32 $0xFFFF6000  }
.LBB2_1:
0x12: {  	s15 =	simm.s32 $0x40;
	s16 =	simm.s32 $0x0  }
.LBB2_2:
0x13: {  	p0 =	sne.s32 s15, $0x27FC0;
	[tilespmem:s16+$0xA000] =	vst v0;
	s16 =	smov.u32 s15;
	s15 =	sadd.s32 $0x40, s15  }
.Ltmp2:
0x14: {  	(pc) =	sbr.rel @p0 .LBB2_2-.Ltmp2, $2  }
0x15: {  	_ =	sdelay $0x2  }
0x16: {  	s16 =	sshra.s32 s16, $0x2  }
0x17: {  	[tilespmem:s16+$0xA000] =	vst v0;
	s15 =	simm.s32 $0x0  }
0x18: {  	[tilespmem:s15], [sflag:$0x5] =	stream.linear.gather [hbm4b:s5+s15], $0xA000, $0x38;
	[tilespmem:$0x18000] =	vst v63  }
0x19: {  	_ =	swait.ge [sflag:s10], $0xA000  }
0x1a: {  	s16 =	simm.s32 $0x10;
	s18 =	sadd.s32 $0x0, s4;
	[sflag:s10] =	ssyncset.done $0x0  }
0x1b: {  	s17 =	simm.s32 $0x14100;
	s15 =	simm.s32 $0x14000;
	[sflag:s10] =	ssyncadd.s32 $0xFFFF6000  }
.LBB2_4:
0x1c: {  	[tilespmem:s15], [sflag:$0x5] =	stream.linear.gather [hbm4b:s18+s3], $0x80, $0x38;
	[tilespmem:$0x18000] =	vst v63  }
0x1d: {  	s18 =	smov.u32 s16;
	s15 =	smov.u32 s17;
	p0 =	sne.s32 s16, $0x1F0  }
.Ltmp3:
0x1e: {  	s16 =	sadd.s32 $0x10, s16;
	(pc) =	sbr.rel @p0 .LBB2_4-.Ltmp3, $2  }
0x1f: {  	_ =	sdelay $0x2  }
0x20: {  	s17 =	sadd.s32 $0x100, s17;
	s18 =	sadd.s32 s18, s4  }
0x21: {  	[tilespmem:s15], [sflag:$0x5] =	stream.linear.gather [hbm4b:s18+s3], $0x80, $0x38;
	[tilespmem:$0x18000] =	vst v63  }
0x22: {  	_ =	swait.ge [sflag:s10], $0x1000  }
0x23: {  	s15 =	simm.s32 $0x16000;
	s16 =	simm.s32 $0x10;
	[sflag:s10] =	ssyncset.done $0x0  }
0x24: {  	s18 =	sadd.s32 $0x0, s2;
	s17 =	simm.s32 $0x16100;
	[sflag:s10] =	ssyncadd.s32 $0xFFFFF000  }
.LBB2_6:
0x25: {  	[tilespmem:s15], [sflag:$0x5] =	stream.linear.gather [hbm4b:s18+s3], $0x80, $0x38;
	[tilespmem:$0x18000] =	vst v63  }
0x26: {  	s18 =	smov.u32 s16;
	s15 =	smov.u32 s17;
	p0 =	sne.s32 s16, $0x1F0  }
.Ltmp4:
0x27: {  	s16 =	sadd.s32 $0x10, s16;
	(pc) =	sbr.rel @p0 .LBB2_6-.Ltmp4, $2  }
0x28: {  	_ =	sdelay $0x2  }
0x29: {  	s17 =	sadd.s32 $0x100, s17;
	s18 =	sadd.s32 s18, s2  }
0x2a: {  	[tilespmem:s15], [sflag:$0x5] =	stream.linear.gather [hbm4b:s18+s3], $0x80, $0x38;
	[tilespmem:$0x18000] =	vst v63  }
0x2b: {  	_ =	swait.ge [sflag:s10], $0x1000  }
0x2c: {  	s15 =	simm.s32 $0x14080;
	s16 =	simm.s32 $0x10;
	[sflag:s10] =	ssyncset.done $0x0  }
0x2d: {  	s18 =	sadd.s32 $0x0, s6;
	s17 =	simm.s32 $0x14180;
	[sflag:s10] =	ssyncadd.s32 $0xFFFFF000  }
.LBB2_8:
0x2e: {  	[tilespmem:s15], [sflag:$0x2] =	stream.linear.gather [hbm4b:s18+s3], $0x80, $0x38;
	[tilespmem:$0x18000] =	vst v63  }
0x2f: {  	s18 =	smov.u32 s16;
	s15 =	smov.u32 s17;
	p0 =	sne.s32 s16, $0x1F0  }
.Ltmp5:
0x30: {  	s16 =	sadd.s32 $0x10, s16;
	(pc) =	sbr.rel @p0 .LBB2_8-.Ltmp5, $2  }
0x31: {  	_ =	sdelay $0x2  }
0x32: {  	s17 =	sadd.s32 $0x100, s17;
	s18 =	sadd.s32 s18, s6  }
0x33: {  	[tilespmem:s15], [sflag:$0x2] =	stream.linear.gather [hbm4b:s18+s3], $0x80, $0x38;
	[tilespmem:$0x18000] =	vst v63  }
0x34: {  	s15 =	simm.s32 $0x0;
	s16 =	simm.s32 $0x16080  }
0x35: {  	s17 =	simm.s32 $0x10;
	s19 =	sadd.s32 $0x0, s7;
	s18 =	simm.s32 $0x16180  }
.LBB2_10:
0x36: {  	[tilespmem:s16], [sflag:$0x4] =	stream.linear.gather [hbm4b:s19+s15], $0x80, $0x38;
	[tilespmem:$0x18000] =	vst v63  }
0x37: {  	s19 =	smov.u32 s17;
	s16 =	smov.u32 s18;
	p0 =	sne.s32 s17, $0x1F0  }
.Ltmp6:
0x38: {  	s17 =	sadd.s32 $0x10, s17;
	(pc) =	sbr.rel @p0 .LBB2_10-.Ltmp6, $2  }
0x39: {  	_ =	sdelay $0x2  }
0x3a: {  	s18 =	sadd.s32 $0x100, s18;
	s19 =	sadd.s32 s19, s7  }
0x3b: {  	[tilespmem:s16], [sflag:$0x4] =	stream.linear.gather [hbm4b:s19+s15], $0x80, $0x38;
	[tilespmem:$0x18000] =	vst v63  }
.LBB2_12:
0x3c: {  	p0 =	seq.s32 s15, $0x0  }
0x3d: {  	s16 =	simm.s32 @!p0 $0x1  }
0x3e: {  	_ =	swait.ge @!p0 [sflag:s16], $0x1000  }
0x3f: {  	[sflag:s16] =	ssyncset.done @!p0 $0x0  }
0x40: {  	[sflag:s16] =	ssyncadd.s32 @!p0 $0xFFFFF000;
	s16 =	simm.s32 @!p0 $0x3  }
0x41: {  	s17 =	simm.s32 $0x0;
	_ =	swait.ge @!p0 [sflag:s16], $0x1000  }
0x42: {  	s18 =	sand.u32 $0x60, s17;
	s17 =	sand.u32 $0x1F00, s17;
	[sflag:s16] =	ssyncset.done @!p0 $0x0  }
0x43: {  	s31 =	sor.u32 s18, s17;
	[sflag:s16] =	ssyncadd.s32 @!p0 $0xFFFFF000  }
0x44: {  	v1 =	vld [tilespmem:s31+$0x14000];
	_ =	sdelay $0x4  }
0x45: {  	v2 =	vld [tilespmem:s31+$0x16000];
	_ =	sdelay $0x2  }
0x46: {  	v3 =	vld.idx.msk [tilespmem:v1+s3+$0x0], $0xffff  }
0x47: {  	v4 =	vadd.s32 $0x2800, v1;
	_ =	sdelay $0x3  }
0x48: {  	[tilespmem:v2+s11+$0x0] =	vst.idx.add.f32.msk $0xffff, v3  }
0x49: {  	v3 =	vadd.s32 $0x2800, v2;
	v4 =	vld.idx.msk [tilespmem:v4+s3+$0x0], $0xffff  }
0x4a: {  	v5 =	vadd.s32 $0x5000, v1;
	_ =	sdelay $0x3  }
0x4b: {  	[tilespmem:v3+s11+$0x0] =	vst.idx.add.f32.msk $0xffff, v4  }
0x4c: {  	v59 =	vadd.s32 $0x5000, v2;
	v3 =	vld.idx.msk [tilespmem:v5+s3+$0x0], $0xffff  }
0x4d: {  	v1 =	vadd.s32 $0x7800, v1;
	_ =	sdelay $0x3  }
0x4e: {  	[tilespmem:v59+s11+$0x0] =	vst.idx.add.f32.msk $0xffff, v3  }
0x4f: {  	v2 =	vadd.s32 $0x7800, v2;
	v1 =	vld.idx.msk [tilespmem:v1+s3+$0x0], $0xffff;
	_ =	sdelay $0x4  }
0x50: {  	[tilespmem:v2+s11+$0x0] =	vst.idx.add.f32.msk $0xffff, v1  }
0x51: {  	v1 =	vld [tilespmem:s31+$0x14010];
	_ =	sdelay $0x4  }
0x52: {  	v2 =	vld [tilespmem:s31+$0x16010];
	_ =	sdelay $0x2  }
0x53: {  	v3 =	vld.idx.msk [tilespmem:v1+s3+$0x0], $0xffff  }
0x54: {  	v60 =	vadd.s32 $0x2800, v1;
	_ =	sdelay $0x3  }
0x55: {  	[tilespmem:v2+s11+$0x0] =	vst.idx.add.f32.msk $0xffff, v3  }
0x56: {  	v61 =	vadd.s32 $0x2800, v2;
	v3 =	vld.idx.msk [tilespmem:v60+s3+$0x0], $0xffff  }
0x57: {  	v62 =	vadd.s32 $0x5000, v1;
	_ =	sdelay $0x3  }
0x58: {  	[tilespmem:v61+s11+$0x0] =	vst.idx.add.f32.msk $0xffff, v3  }
0x59: {  	v63 =	vadd.s32 $0x5000, v2;
	v3 =	vld.idx.msk [tilespmem:v62+s3+$0x0], $0xffff  }
0x5a: {  	v1 =	vadd.s32 $0x7800, v1;
	_ =	sdelay $0x3  }
0x5b: {  	[tilespmem:v63+s11+$0x0] =	vst.idx.add.f32.msk $0xffff, v3  }
0x5c: {  	v2 =	vadd.s32 $0x7800, v2;
	v1 =	vld.idx.msk [tilespmem:v1+s3+$0x0], $0xffff  }
0x5d: {  	s19 =	simm.s32 $0x20  }
0x5e: {  	s19 =	sand.u32 $0x60, s19;
	s17 =	simm.s32 $0x40  }
0x5f: {  	s18 =	simm.s32 $0x40;
	s20 =	sand.u32 $0x1F00, s17;
	s16 =	sshll.u32 s15, $0xA  }
.LBB2_13:
0x60: {  	p0 =	sne.s32 s18, $0xFE0  }
0x61: {  	s20 =	sor.u32 s19, s20;
	[tilespmem:v2+s11+$0x0] =	vst.idx.add.f32.msk $0xffff, v1;
	s19 =	smov.u32 s18;
	s18 =	sadd.s32 $0x20, s18  }
0x62: {  	v1 =	vld [tilespmem:s20+$0x14000];
	_ =	sdelay $0x4  }
0x63: {  	v2 =	vadd.s32 $0x2800, v1;
	v3 =	vadd.s32 $0x7800, v1  }
0x64: {  	v4 =	vld [tilespmem:s20+$0x16000];
	_ =	sdelay $0x1  }
0x65: {  	v5 =	vld.idx.msk [tilespmem:v1+s3+$0x0], $0xffff;
	_ =	sdelay $0x2  }
0x66: {  	v6 =	vadd.s32 $0x2800, v4;
	_ =	sdelay $0x2  }
0x67: {  	[tilespmem:v4+s11+$0x0] =	vst.idx.add.f32.msk $0xffff, v5  }
0x68: {  	v2 =	vld.idx.msk [tilespmem:v2+s3+$0x0], $0xffff;
	_ =	sdelay $0x1  }
0x69: {  	v1 =	vadd.s32 $0x5000, v1;
	_ =	sdelay $0x3  }
0x6a: {  	[tilespmem:v6+s11+$0x0] =	vst.idx.add.f32.msk $0xffff, v2  }
0x6b: {  	v1 =	vld.idx.msk [tilespmem:v1+s3+$0x0], $0xffff  }
0x6c: {  	v2 =	vadd.s32 $0x5000, v4;
	_ =	sdelay $0x4  }
0x6d: {  	[tilespmem:v2+s11+$0x0] =	vst.idx.add.f32.msk $0xffff, v1  }
0x6e: {  	v1 =	vld.idx.msk [tilespmem:v3+s3+$0x0], $0xffff  }
0x6f: {  	v2 =	vadd.s32 $0x7800, v4;
	_ =	sdelay $0x4  }
0x70: {  	[tilespmem:v2+s11+$0x0] =	vst.idx.add.f32.msk $0xffff, v1  }
0x71: {  	v1 =	vld [tilespmem:s20+$0x14010];
	_ =	sdelay $0x5  }
0x72: {  	v2 =	vld [tilespmem:s20+$0x16010];
	_ =	sdelay $0x1  }
0x73: {  	v3 =	vld.idx.msk [tilespmem:v1+s3+$0x0], $0xffff;
	_ =	sdelay $0x1  }
0x74: {  	v4 =	vadd.s32 $0x2800, v1;
	_ =	sdelay $0x3  }
0x75: {  	[tilespmem:v2+s11+$0x0] =	vst.idx.add.f32.msk $0xffff, v3  }
0x76: {  	v3 =	vld.idx.msk [tilespmem:v4+s3+$0x0], $0xffff  }
0x77: {  	v4 =	vadd.s32 $0x2800, v2  }
0x78: {  	v5 =	vadd.s32 $0x5000, v1;
	_ =	sdelay $0x3  }
0x79: {  	[tilespmem:v4+s11+$0x0] =	vst.idx.add.f32.msk $0xffff, v3  }
0x7a: {  	v3 =	vld.idx.msk [tilespmem:v5+s3+$0x0], $0xffff  }
0x7b: {  	v4 =	vadd.s32 $0x5000, v2  }
0x7c: {  	v1 =	vadd.s32 $0x7800, v1;
	_ =	sdelay $0x3  }
0x7d: {  	[tilespmem:v4+s11+$0x0] =	vst.idx.add.f32.msk $0xffff, v3  }
0x7e: {  	v1 =	vld.idx.msk [tilespmem:v1+s3+$0x0], $0xffff  }
.Ltmp7:
0x7f: {  	v2 =	vadd.s32 $0x7800, v2;
	(pc) =	sbr.rel @p0 .LBB2_13-.Ltmp7, $3  }
0x80: {  	_ =	sdelay $0x1  }
0x81: {  	s17 =	sadd.s32 $0x40, s17  }
0x82: {  	s19 =	sand.u32 $0x60, s19;
	s20 =	sand.u32 $0x1F00, s17  }
0x83: {  	_ =	sdelay $0x3  }
0x84: {  	s17 =	sor.u32 s19, s20;
	[tilespmem:v2+s11+$0x0] =	vst.idx.add.f32.msk $0xffff, v1  }
0x85: {  	v1 =	vld [tilespmem:s17+$0x14000];
	_ =	sdelay $0x4  }
0x86: {  	v2 =	vld [tilespmem:s17+$0x16000];
	_ =	sdelay $0x2  }
0x87: {  	v3 =	vld.idx.msk [tilespmem:v1+s3+$0x0], $0xffff  }
0x88: {  	v4 =	vadd.s32 $0x2800, v1;
	_ =	sdelay $0x3  }
0x89: {  	[tilespmem:v2+s11+$0x0] =	vst.idx.add.f32.msk $0xffff, v3  }
0x8a: {  	v3 =	vadd.s32 $0x2800, v2;
	v4 =	vld.idx.msk [tilespmem:v4+s3+$0x0], $0xffff  }
0x8b: {  	v5 =	vadd.s32 $0x5000, v1;
	_ =	sdelay $0x3  }
0x8c: {  	[tilespmem:v3+s11+$0x0] =	vst.idx.add.f32.msk $0xffff, v4  }
0x8d: {  	v59 =	vadd.s32 $0x5000, v2;
	v3 =	vld.idx.msk [tilespmem:v5+s3+$0x0], $0xffff  }
0x8e: {  	v1 =	vadd.s32 $0x7800, v1;
	_ =	sdelay $0x3  }
0x8f: {  	[tilespmem:v59+s11+$0x0] =	vst.idx.add.f32.msk $0xffff, v3  }
0x90: {  	v2 =	vadd.s32 $0x7800, v2;
	v1 =	vld.idx.msk [tilespmem:v1+s3+$0x0], $0xffff;
	_ =	sdelay $0x4  }
0x91: {  	[tilespmem:v2+s11+$0x0] =	vst.idx.add.f32.msk $0xffff, v1  }
0x92: {  	v1 =	vld [tilespmem:s17+$0x14010];
	_ =	sdelay $0x4  }
0x93: {  	v2 =	vld [tilespmem:s17+$0x16010];
	_ =	sdelay $0x2  }
0x94: {  	v3 =	vld.idx.msk [tilespmem:v1+s3+$0x0], $0xffff  }
0x95: {  	v60 =	vadd.s32 $0x2800, v1;
	_ =	sdelay $0x3  }
0x96: {  	[tilespmem:v2+s11+$0x0] =	vst.idx.add.f32.msk $0xffff, v3  }
0x97: {  	v61 =	vadd.s32 $0x2800, v2;
	v3 =	vld.idx.msk [tilespmem:v60+s3+$0x0], $0xffff  }
0x98: {  	v62 =	vadd.s32 $0x5000, v1;
	_ =	sdelay $0x3  }
0x99: {  	[tilespmem:v61+s11+$0x0] =	vst.idx.add.f32.msk $0xffff, v3  }
0x9a: {  	v63 =	vadd.s32 $0x5000, v2;
	v3 =	vld.idx.msk [tilespmem:v62+s3+$0x0], $0xffff  }
0x9b: {  	v1 =	vadd.s32 $0x7800, v1;
	_ =	sdelay $0x3  }
0x9c: {  	[tilespmem:v63+s11+$0x0] =	vst.idx.add.f32.msk $0xffff, v3  }
0x9d: {  	p0 =	seq.s32 s15, $0x27;
	v2 =	vadd.s32 $0x7800, v2;
	v1 =	vld.idx.msk [tilespmem:v1+s3+$0x0], $0xffff  }
.Ltmp8:
0x9e: {  	_ = 	snop;
	(pc) =	sbr.rel @p0 .LBB2_20-.Ltmp8, $2  }
0x9f: {  	_ =	sdelay $0x2  }
0xa0: {  	[tilespmem:v2+s11+$0x0] =	vst.idx.add.f32.msk $0xffff, v1  }
0xa1: {  	s17 =	sadd.s32 $0x400, s16  }
0xa2: {  	s19 =	simm.s32 $0x14000;
	s18 =	sadd.s32 s4, s17  }
0xa3: {  	s20 =	simm.s32 $0x10;
	s21 =	simm.s32 $0x14100;
	s22 =	sadd.s32 $0x0, s18  }
.LBB2_16:
0xa4: {  	[tilespmem:s19], [sflag:$0x1] =	stream.linear.gather [hbm4b:s22+s3], $0x80, $0x38;
	[tilespmem:$0x18000] =	vst v63  }
0xa5: {  	s22 =	smov.u32 s20;
	s19 =	smov.u32 s21;
	p1 =	sne.s32 s20, $0x1F0  }
.Ltmp9:
0xa6: {  	s20 =	sadd.s32 $0x10, s20;
	(pc) =	sbr.rel @p1 .LBB2_16-.Ltmp9, $2  }
0xa7: {  	_ =	sdelay $0x2  }
0xa8: {  	s21 =	sadd.s32 $0x100, s21;
	s22 =	sadd.s32 s22, s18  }
0xa9: {  	[tilespmem:s19], [sflag:$0x1] =	stream.linear.gather [hbm4b:s22+s3], $0x80, $0x38;
	[tilespmem:$0x18000] =	vst v63  }
0xaa: {  	s17 =	sadd.s32 s2, s17;
	s18 =	simm.s32 $0x16000  }
0xab: {  	s19 =	simm.s32 $0x10;
	s20 =	simm.s32 $0x16100;
	s21 =	sadd.s32 $0x0, s17  }
.LBB2_18:
0xac: {  	[tilespmem:s18], [sflag:$0x3] =	stream.linear.gather [hbm4b:s21+s3], $0x80, $0x38;
	[tilespmem:$0x18000] =	vst v63  }
0xad: {  	s21 =	smov.u32 s19;
	s18 =	smov.u32 s20;
	p1 =	sne.s32 s19, $0x1F0  }
.Ltmp10:
0xae: {  	s19 =	sadd.s32 $0x10, s19;
	(pc) =	sbr.rel @p1 .LBB2_18-.Ltmp10, $2  }
0xaf: {  	_ =	sdelay $0x2  }
0xb0: {  	s20 =	sadd.s32 $0x100, s20;
	s21 =	sadd.s32 s21, s17  }
0xb1: {  	[tilespmem:s18], [sflag:$0x3] =	stream.linear.gather [hbm4b:s21+s3], $0x80, $0x38;
	[tilespmem:$0x18000] =	vst v63  }
.LBB2_20:
0xb2: {  	_ =	swait.ge [sflag:s12], $0x1000  }
0xb3: {  	[sflag:s12] =	ssyncset.done $0x0  }
0xb4: {  	[sflag:s12] =	ssyncadd.s32 $0xFFFFF000  }
0xb5: {  	s17 =	simm.s32 $0x0;
	_ =	swait.ge [sflag:s13], $0x1000  }
0xb6: {  	s18 =	sand.u32 $0x60, s17;
	s17 =	sand.u32 $0x1F00, s17;
	[sflag:s13] =	ssyncset.done $0x0  }
0xb7: {  	s17 =	sor.u32 s18, s17;
	[sflag:s13] =	ssyncadd.s32 $0xFFFFF000  }
0xb8: {  	v1 =	vld [tilespmem:s17+$0x14080];
	_ =	sdelay $0x4  }
0xb9: {  	v2 =	vld [tilespmem:s17+$0x16080];
	_ =	sdelay $0x2  }
0xba: {  	v3 =	vld.idx.msk [tilespmem:v1+s3+$0x0], $0xffff  }
0xbb: {  	v4 =	vadd.s32 $0x2800, v1;
	_ =	sdelay $0x3  }
0xbc: {  	[tilespmem:v2+s11+$0x0] =	vst.idx.add.f32.msk $0xffff, v3  }
0xbd: {  	v3 =	vadd.s32 $0x2800, v2;
	v4 =	vld.idx.msk [tilespmem:v4+s3+$0x0], $0xffff  }
0xbe: {  	v5 =	vadd.s32 $0x5000, v1;
	_ =	sdelay $0x3  }
0xbf: {  	[tilespmem:v3+s11+$0x0] =	vst.idx.add.f32.msk $0xffff, v4  }
0xc0: {  	v59 =	vadd.s32 $0x5000, v2;
	v3 =	vld.idx.msk [tilespmem:v5+s3+$0x0], $0xffff  }
0xc1: {  	v1 =	vadd.s32 $0x7800, v1;
	_ =	sdelay $0x3  }
0xc2: {  	[tilespmem:v59+s11+$0x0] =	vst.idx.add.f32.msk $0xffff, v3  }
0xc3: {  	v2 =	vadd.s32 $0x7800, v2;
	v1 =	vld.idx.msk [tilespmem:v1+s3+$0x0], $0xffff;
	_ =	sdelay $0x4  }
0xc4: {  	[tilespmem:v2+s11+$0x0] =	vst.idx.add.f32.msk $0xffff, v1  }
0xc5: {  	v1 =	vld [tilespmem:s17+$0x14090];
	_ =	sdelay $0x4  }
0xc6: {  	v2 =	vld [tilespmem:s17+$0x16090];
	_ =	sdelay $0x2  }
0xc7: {  	v3 =	vld.idx.msk [tilespmem:v1+s3+$0x0], $0xffff  }
0xc8: {  	v60 =	vadd.s32 $0x2800, v1;
	_ =	sdelay $0x3  }
0xc9: {  	[tilespmem:v2+s11+$0x0] =	vst.idx.add.f32.msk $0xffff, v3  }
0xca: {  	v61 =	vadd.s32 $0x2800, v2;
	v3 =	vld.idx.msk [tilespmem:v60+s3+$0x0], $0xffff  }
0xcb: {  	v62 =	vadd.s32 $0x5000, v1;
	_ =	sdelay $0x3  }
0xcc: {  	[tilespmem:v61+s11+$0x0] =	vst.idx.add.f32.msk $0xffff, v3  }
0xcd: {  	v63 =	vadd.s32 $0x5000, v2;
	v3 =	vld.idx.msk [tilespmem:v62+s3+$0x0], $0xffff  }
0xce: {  	v1 =	vadd.s32 $0x7800, v1;
	_ =	sdelay $0x3  }
0xcf: {  	[tilespmem:v63+s11+$0x0] =	vst.idx.add.f32.msk $0xffff, v3  }
0xd0: {  	v2 =	vadd.s32 $0x7800, v2;
	v1 =	vld.idx.msk [tilespmem:v1+s3+$0x0], $0xffff;
	_ =	sdelay $0x1  }
0xd1: {  	s19 =	simm.s32 $0x20;
	s17 =	simm.s32 $0x40  }
0xd2: {  	s19 =	sand.u32 $0x60, s19;
	s18 =	simm.s32 $0x40;
	s20 =	sand.u32 $0x1F00, s17  }
.LBB2_21:
0xd3: {  	p1 =	sne.s32 s18, $0xFE0  }
0xd4: {  	s20 =	sor.u32 s19, s20;
	[tilespmem:v2+s11+$0x0] =	vst.idx.add.f32.msk $0xffff, v1;
	s19 =	smov.u32 s18;
	s18 =	sadd.s32 $0x20, s18  }
0xd5: {  	v1 =	vld [tilespmem:s20+$0x14080];
	_ =	sdelay $0x4  }
0xd6: {  	v2 =	vadd.s32 $0x2800, v1;
	v3 =	vadd.s32 $0x7800, v1  }
0xd7: {  	v4 =	vld [tilespmem:s20+$0x16080];
	_ =	sdelay $0x1  }
0xd8: {  	v5 =	vld.idx.msk [tilespmem:v1+s3+$0x0], $0xffff;
	_ =	sdelay $0x2  }
0xd9: {  	v6 =	vadd.s32 $0x2800, v4;
	_ =	sdelay $0x2  }
0xda: {  	[tilespmem:v4+s11+$0x0] =	vst.idx.add.f32.msk $0xffff, v5  }
0xdb: {  	v2 =	vld.idx.msk [tilespmem:v2+s3+$0x0], $0xffff;
	_ =	sdelay $0x1  }
0xdc: {  	v1 =	vadd.s32 $0x5000, v1;
	_ =	sdelay $0x3  }
0xdd: {  	[tilespmem:v6+s11+$0x0] =	vst.idx.add.f32.msk $0xffff, v2  }
0xde: {  	v1 =	vld.idx.msk [tilespmem:v1+s3+$0x0], $0xffff  }
0xdf: {  	v2 =	vadd.s32 $0x5000, v4;
	_ =	sdelay $0x4  }
0xe0: {  	[tilespmem:v2+s11+$0x0] =	vst.idx.add.f32.msk $0xffff, v1  }
0xe1: {  	v1 =	vld.idx.msk [tilespmem:v3+s3+$0x0], $0xffff  }
0xe2: {  	v2 =	vadd.s32 $0x7800, v4;
	_ =	sdelay $0x4  }
0xe3: {  	[tilespmem:v2+s11+$0x0] =	vst.idx.add.f32.msk $0xffff, v1  }
0xe4: {  	v1 =	vld [tilespmem:s20+$0x14090];
	_ =	sdelay $0x5  }
0xe5: {  	v2 =	vld [tilespmem:s20+$0x16090];
	_ =	sdelay $0x1  }
0xe6: {  	v3 =	vld.idx.msk [tilespmem:v1+s3+$0x0], $0xffff;
	_ =	sdelay $0x1  }
0xe7: {  	v4 =	vadd.s32 $0x2800, v1;
	_ =	sdelay $0x3  }
0xe8: {  	[tilespmem:v2+s11+$0x0] =	vst.idx.add.f32.msk $0xffff, v3  }
0xe9: {  	v3 =	vld.idx.msk [tilespmem:v4+s3+$0x0], $0xffff  }
0xea: {  	v4 =	vadd.s32 $0x2800, v2  }
0xeb: {  	v5 =	vadd.s32 $0x5000, v1;
	_ =	sdelay $0x3  }
0xec: {  	[tilespmem:v4+s11+$0x0] =	vst.idx.add.f32.msk $0xffff, v3  }
0xed: {  	v3 =	vld.idx.msk [tilespmem:v5+s3+$0x0], $0xffff  }
0xee: {  	v4 =	vadd.s32 $0x5000, v2  }
0xef: {  	v1 =	vadd.s32 $0x7800, v1;
	_ =	sdelay $0x3  }
0xf0: {  	[tilespmem:v4+s11+$0x0] =	vst.idx.add.f32.msk $0xffff, v3  }
0xf1: {  	v1 =	vld.idx.msk [tilespmem:v1+s3+$0x0], $0xffff  }
.Ltmp11:
0xf2: {  	v2 =	vadd.s32 $0x7800, v2;
	(pc) =	sbr.rel @p1 .LBB2_21-.Ltmp11, $3  }
0xf3: {  	_ =	sdelay $0x1  }
0xf4: {  	s17 =	sadd.s32 $0x40, s17  }
0xf5: {  	s19 =	sand.u32 $0x60, s19;
	s20 =	sand.u32 $0x1F00, s17  }
0xf6: {  	_ =	sdelay $0x3  }
0xf7: {  	s17 =	sor.u32 s19, s20;
	[tilespmem:v2+s11+$0x0] =	vst.idx.add.f32.msk $0xffff, v1  }
0xf8: {  	v1 =	vld [tilespmem:s17+$0x14080];
	_ =	sdelay $0x4  }
0xf9: {  	v2 =	vld [tilespmem:s17+$0x16080];
	_ =	sdelay $0x2  }
0xfa: {  	v3 =	vld.idx.msk [tilespmem:v1+s3+$0x0], $0xffff  }
0xfb: {  	v4 =	vadd.s32 $0x2800, v1;
	_ =	sdelay $0x3  }
0xfc: {  	[tilespmem:v2+s11+$0x0] =	vst.idx.add.f32.msk $0xffff, v3  }
0xfd: {  	v3 =	vadd.s32 $0x2800, v2;
	v4 =	vld.idx.msk [tilespmem:v4+s3+$0x0], $0xffff  }
0xfe: {  	v5 =	vadd.s32 $0x5000, v1;
	_ =	sdelay $0x3  }
0xff: {  	[tilespmem:v3+s11+$0x0] =	vst.idx.add.f32.msk $0xffff, v4  }
0x100: {  	v59 =	vadd.s32 $0x5000, v2;
	v3 =	vld.idx.msk [tilespmem:v5+s3+$0x0], $0xffff  }
0x101: {  	v1 =	vadd.s32 $0x7800, v1;
	_ =	sdelay $0x3  }
0x102: {  	[tilespmem:v59+s11+$0x0] =	vst.idx.add.f32.msk $0xffff, v3  }
0x103: {  	v2 =	vadd.s32 $0x7800, v2;
	v1 =	vld.idx.msk [tilespmem:v1+s3+$0x0], $0xffff;
	_ =	sdelay $0x4  }
0x104: {  	[tilespmem:v2+s11+$0x0] =	vst.idx.add.f32.msk $0xffff, v1  }
0x105: {  	v1 =	vld [tilespmem:s17+$0x14090];
	_ =	sdelay $0x4  }
0x106: {  	v2 =	vld [tilespmem:s17+$0x16090];
	_ =	sdelay $0x2  }
0x107: {  	v3 =	vld.idx.msk [tilespmem:v1+s3+$0x0], $0xffff  }
0x108: {  	v60 =	vadd.s32 $0x2800, v1;
	_ =	sdelay $0x3  }
0x109: {  	[tilespmem:v2+s11+$0x0] =	vst.idx.add.f32.msk $0xffff, v3  }
0x10a: {  	v61 =	vadd.s32 $0x2800, v2;
	v3 =	vld.idx.msk [tilespmem:v60+s3+$0x0], $0xffff  }
0x10b: {  	v62 =	vadd.s32 $0x5000, v1;
	_ =	sdelay $0x3  }
0x10c: {  	[tilespmem:v61+s11+$0x0] =	vst.idx.add.f32.msk $0xffff, v3  }
0x10d: {  	v63 =	vadd.s32 $0x5000, v2;
	v3 =	vld.idx.msk [tilespmem:v62+s3+$0x0], $0xffff  }
0x10e: {  	v1 =	vadd.s32 $0x7800, v1;
	_ =	sdelay $0x3  }
0x10f: {  	[tilespmem:v63+s11+$0x0] =	vst.idx.add.f32.msk $0xffff, v3  }
0x110: {  	v2 =	vadd.s32 $0x7800, v2;
	v1 =	vld.idx.msk [tilespmem:v1+s3+$0x0], $0xffff  }
.Ltmp12:
0x111: {  	_ = 	snop;
	(pc) =	sbr.rel @p0 .LBB2_28-.Ltmp12, $2  }
0x112: {  	_ =	sdelay $0x2  }
0x113: {  	[tilespmem:v2+s11+$0x0] =	vst.idx.add.f32.msk $0xffff, v1  }
0x114: {  	s16 =	sadd.s32 $0x600, s16  }
0x115: {  	s18 =	simm.s32 $0x14080;
	s17 =	sadd.s32 s4, s16  }
0x116: {  	s19 =	simm.s32 $0x10;
	s20 =	simm.s32 $0x14180;
	s21 =	sadd.s32 $0x0, s17  }
.LBB2_24:
0x117: {  	[tilespmem:s18], [sflag:$0x2] =	stream.linear.gather [hbm4b:s21+s3], $0x80, $0x38;
	[tilespmem:$0x18000] =	vst v63  }
0x118: {  	s21 =	smov.u32 s19;
	s18 =	smov.u32 s20;
	p0 =	sne.s32 s19, $0x1F0  }
.Ltmp13:
0x119: {  	s19 =	sadd.s32 $0x10, s19;
	(pc) =	sbr.rel @p0 .LBB2_24-.Ltmp13, $2  }
0x11a: {  	_ =	sdelay $0x2  }
0x11b: {  	s20 =	sadd.s32 $0x100, s20;
	s21 =	sadd.s32 s21, s17  }
0x11c: {  	[tilespmem:s18], [sflag:$0x2] =	stream.linear.gather [hbm4b:s21+s3], $0x80, $0x38;
	[tilespmem:$0x18000] =	vst v63  }
0x11d: {  	s16 =	sadd.s32 s2, s16;
	s17 =	simm.s32 $0x16080  }
0x11e: {  	s18 =	simm.s32 $0x10;
	s19 =	simm.s32 $0x16180;
	s20 =	sadd.s32 $0x0, s16  }
.LBB2_26:
0x11f: {  	[tilespmem:s17], [sflag:$0x4] =	stream.linear.gather [hbm4b:s20+s3], $0x80, $0x38;
	[tilespmem:$0x18000] =	vst v63  }
0x120: {  	s20 =	smov.u32 s18;
	s17 =	smov.u32 s19;
	p0 =	sne.s32 s18, $0x1F0  }
.Ltmp14:
0x121: {  	s18 =	sadd.s32 $0x10, s18;
	(pc) =	sbr.rel @p0 .LBB2_26-.Ltmp14, $2  }
0x122: {  	_ =	sdelay $0x2  }
0x123: {  	s19 =	sadd.s32 $0x100, s19;
	s20 =	sadd.s32 s20, s16  }
.Ltmp15:
0x124: {  	(pc) =	sbr.rel .LBB2_12-.Ltmp15, $3  }
0x125: {  	_ =	sdelay $0x1  }
0x126: {  	[tilespmem:s17], [sflag:$0x4] =	stream.linear.gather [hbm4b:s20+s3], $0x80, $0x38;
	[tilespmem:$0x18000] =	vst v63  }
0x127: {  	s15 =	sadd.s32 $0x1, s15  }
.LBB2_29:
0x128: {  	_ =	sfence.sel $0x180000  }
0x129: {  	[bflag:$0x0] =	sbarrier.arrive $0xFFFF  }
0x12a: {  	p0 =	sne.s32 s0, $0x0;
	_ =	strace $0x9000004D  }
0x12b: {  	s0 =	sadd.s32 @!p0 $0x100000, s1;
	[bflag:$0x2] =	sbarrier.arrive $0xFFFF  }
0x12c: {  	[sflag:s0] =	ssyncadd.tile.s32 @!p0 $0x1;
	_ =	shalt  }
.Lfunc_end2:
_tile_overlayer_lowered:
.L_overlay_start_2:
0x12d: {  	(tag) =	ssettag $0x2  }
0x12e: {  	s0 =	rddreg [dreg:$0x0];
	s2 =	stileid.u32  }
0x12f: {  	s1 =	rddreg [dreg:$0x1];
	p0 =	sne.s32 s2, $0x0  }
0x130: {  	s3 =	rddreg [dreg:$0x2];
	[bflag:$0x3] =	sbarrier.arrive $0xFFFF;
	s2 =	simm.s32 @!p0 $0x1C05  }
0x131: {  	[timem:s3], [sflag:s2] =	dma.local @!p0 [hbm:s0], s1  }
0x132: {  	s0 =	simm.s32 @!p0 $0x5  }
0x133: {  	_ =	swait.ge @!p0 [sflag:s0], s1  }
0x134: {  	s1 =	ssub.s32 @!p0 $0x0, s1;
	[sflag:s0] =	ssyncset.done @!p0 $0x0  }
0x135: {  	[sflag:s0] =	ssyncadd.s32 @!p0 s1  }
0x136: {  	[bflag:$0x3] =	sbarrier.arrive $0xFFFF  }
0x137: {  	_ =	shalt  }

// kernel: kernel.8.cloned.1.call-start
scs
__scs_entry_jumppad:
0x0: {  	(pc) =	sbr.rel $0x88, $3  }
0x1: {  	(tag) =	ssettag $0x0;
	lr =	simm.s32 $0x1  }
0x2: {  	[smem:$0x3F9B] =	sst lr;
	_ =	strace $0xD0000000  }
0x3: {  	_ = 	snop  }
0x4: {  	_ = 	snop  }
0x5: {  	_ = 	snop  }
0x6: {  	_ = 	snop  }
0x7: {  	_ = 	snop  }
__scs_overlays_trampoline_lowered:
0x8: {  	[smem:$0x3FAA] =	sst s0  }
0x9: {  	[smem:$0x3FAB] =	sst s1  }
0xa: {  	[smem:$0x3FAC] =	sst s2  }
0xb: {  	[smem:$0x3FAD] =	sst s3  }
0xc: {  	[smem:$0x3FAE] =	sst s4  }
0xd: {  	[smem:$0x3FAF] =	sst s5  }
0xe: {  	[smem:$0x3FB0] =	sst s6  }
0xf: {  	[smem:$0x3FB1] =	sst s7  }
0x10: {  	[smem:$0x3FB2] =	sst s8  }
0x11: {  	[smem:$0x3FB3] =	sst s9;
	s0 =	simm.s32 @!p0 $0x0  }
0x12: {  	s1 =	sld [smem:$0x3F99];
	s0 =	simm.s32 @p0 $0x1  }
0x13: {  	[smem:$0x3FB4] =	sst s0;
	s0 =	simm.s32 @!p1 $0x0  }
0x14: {  	s2 =	sld [smem:$0x3F98];
	s0 =	simm.s32 @p1 $0x1  }
0x15: {  	[smem:$0x3FB5] =	sst s0;
	s0 =	simm.s32 @!p2 $0x0  }
0x16: {  	s3 =	sld [smem:$0x3FDB];
	s0 =	simm.s32 @p2 $0x1  }
0x17: {  	s4 =	simm.s32 $0x1BF5;
	[smem:$0x3FB7] =	sst s0  }
0x18: {  	s0 =	sld [smem:$0x3F9A];
	_ =	swait.ge [sflag:s4], $0x0  }
0x19: {  	s7 =	sld [smem:$0x3F9B]  }
0x1a: {  	s8 =	sadd.s32 $0xFFFFE003, lr  }
0x1b: {  	s9 =	sadd.s32 $0xFFFFFEF7, lr;
	s5 =	simm.s32 $0xFFFFFFFF;
	p2 =	slt.u32 s8, $0xFFFFF086  }
0x1c: {  	p1 =	slt.u32 s9, $0xF7A;
	s5 =	simm.s32 @!p2 $0x0  }
0x1d: {  	s5 =	simm.s32 @p1 $0x1;
	p0 =	seq.s32 s7, s2  }
0x1e: {  	s7 =	smul.u32 @!p0 $0xF7A, s2;
	p2 =	seq.s32 @!p0 s5, $0x0  }
0x1f: {  	s9 =	smul.u32 $0xF7A, s1;
	s8 =	simm.s32 @!p0 $0x1BF5;
	p2 =	por !p2, p0  }
0x20: {  	[sflag:s8] =	ssyncset.s32 @!p0 $0xFFFFF086;
	s6 =	sadd.s32 @!p0 s3, s7;
	s7 =	simm.s32 @!p0 $0x108  }
0x21: {  	s3 =	sadd.s32 s3, s9;
	s6 =	sadd.s32 @!p0 $0x88, s6;
	s7 =	simm.s32 @p2 $0x1082  }
0x22: {  	[simem:s7], [sflag:s8] =	dma.local @!p0 [hbm:s6], $0xF7A  }
0x23: {  	s9 =	sor.u32 $0xD0000000, s2;
	s6 =	simm.s32 $0x108;
	_ =	swait.ge @!p0 [sflag:s8], $0x0  }
0x24: {  	s3 =	sadd.s32 $0x88, s3;
	s6 =	simm.s32 @!p1 $0x1082;
	[sflag:s4] =	ssyncset.s32 $0xFFFFF086  }
0x25: {  	[simem:s6], [sflag:s4] =	dma.local [hbm:s3], $0xF7A  }
0x26: {  	[smem:$0x3F9B] =	sst s1;
	(tag) =	ssettag s2;
	_ =	strace s9  }
0x27: {  	s1 =	sld [smem:$0x3FAB]  }
0x28: {  	s2 =	sld [smem:$0x3FAC]  }
0x29: {  	s4 =	sld [smem:$0x3FAE]  }
0x2a: {  	p0 =	seq.s32 s5, $0x0;
	s5 =	sld [smem:$0x3FAF]  }
0x2b: {  	s6 =	sld [smem:$0x3FB0]  }
0x2c: {  	s7 =	sld [smem:$0x3FB1]  }
0x2d: {  	s3 =	simm.s32 $0x108;
	s8 =	sld [smem:$0x3FB2]  }
0x2e: {  	s3 =	simm.s32 @!p0 $0x1082;
	s9 =	sld [smem:$0x3FB3]  }
0x2f: {  	lr =	sadd.s32 s0, s3;
	s0 =	sld [smem:$0x3FAA]  }
0x30: {  	s3 =	sld [smem:$0x3FAD]  }
0x31: {  	[smem:$0x3FB6] =	sst s10  }
0x32: {  	s10 =	sld [smem:$0x3FB4];
	_ =	sdelay $0x3  }
0x33: {  	p0 =	seq.s32 s10, $0x1;
	s10 =	sld [smem:$0x3FB6];
	_ =	sdelay $0x3  }
0x34: {  	[smem:$0x3FB6] =	sst s10  }
0x35: {  	s10 =	sld [smem:$0x3FB5];
	_ =	sdelay $0x3  }
0x36: {  	p1 =	seq.s32 s10, $0x1;
	s10 =	sld [smem:$0x3FB6];
	_ =	sdelay $0x3  }
0x37: {  	[smem:$0x3FB6] =	sst s10  }
0x38: {  	s10 =	sld [smem:$0x3FB7]  }
0x39: {  	_ = 	snop;
	(pc) =	sbr.ind lr, $3  }
0x3a: {  	_ = 	snop  }
0x3b: {  	_ = 	snop  }
0x3c: {  	p2 =	seq.s32 s10, $0x1;
	s10 =	sld [smem:$0x3FB6]  }
0x3d: {  	_ =	shalt  }
0x3e: {  	_ =	shalt  }
0x3f: {  	_ =	shalt  }
0x40: {  	_ =	shalt  }
0x41: {  	_ =	shalt  }
0x42: {  	_ =	shalt  }
0x43: {  	_ =	shalt  }
0x44: {  	_ =	shalt  }
0x45: {  	_ =	shalt  }
0x46: {  	_ =	shalt  }
0x47: {  	_ =	shalt  }
0x48: {  	_ =	shalt  }
0x49: {  	_ =	shalt  }
0x4a: {  	_ =	shalt  }
0x4b: {  	_ =	shalt  }
0x4c: {  	_ =	shalt  }
0x4d: {  	_ =	shalt  }
0x4e: {  	_ =	shalt  }
0x4f: {  	_ =	shalt  }
0x50: {  	_ =	shalt  }
0x51: {  	_ =	shalt  }
0x52: {  	_ =	shalt  }
0x53: {  	_ =	shalt  }
0x54: {  	_ =	shalt  }
0x55: {  	_ =	shalt  }
0x56: {  	_ =	shalt  }
0x57: {  	_ =	shalt  }
0x58: {  	_ =	shalt  }
0x59: {  	_ =	shalt  }
0x5a: {  	_ =	shalt  }
0x5b: {  	_ =	shalt  }
0x5c: {  	_ =	shalt  }
0x5d: {  	_ =	shalt  }
0x5e: {  	_ =	shalt  }
0x5f: {  	_ =	shalt  }
0x60: {  	_ =	shalt  }
0x61: {  	_ =	shalt  }
0x62: {  	_ =	shalt  }
0x63: {  	_ =	shalt  }
0x64: {  	_ =	shalt  }
0x65: {  	_ =	shalt  }
0x66: {  	_ =	shalt  }
0x67: {  	_ =	shalt  }
0x68: {  	_ =	shalt  }
0x69: {  	_ =	shalt  }
0x6a: {  	_ =	shalt  }
0x6b: {  	_ =	shalt  }
0x6c: {  	_ =	shalt  }
0x6d: {  	_ =	shalt  }
0x6e: {  	_ =	shalt  }
0x6f: {  	_ =	shalt  }
0x70: {  	_ =	shalt  }
0x71: {  	_ =	shalt  }
0x72: {  	_ =	shalt  }
0x73: {  	_ =	shalt  }
0x74: {  	_ =	shalt  }
0x75: {  	_ =	shalt  }
0x76: {  	_ =	shalt  }
0x77: {  	_ =	shalt  }
0x78: {  	_ =	shalt  }
0x79: {  	_ =	shalt  }
0x7a: {  	_ =	shalt  }
0x7b: {  	_ =	shalt  }
0x7c: {  	_ =	shalt  }
0x7d: {  	_ =	shalt  }
0x7e: {  	_ =	shalt  }
0x7f: {  	_ =	shalt  }
0x80: {  	_ =	shalt  }
0x81: {  	_ =	shalt  }
0x82: {  	_ =	shalt  }
0x83: {  	_ =	shalt  }
0x84: {  	_ =	shalt  }
0x85: {  	_ =	shalt  }
0x86: {  	_ =	shalt  }
0x87: {  	_ =	shalt  }
.Lfunc_end0:
.L_simem_size_0:
called_computation_lowered:
.L_overlay_start_0:
0x88: {  	s2 =	sld [smem:$0x3FD9]  }
0x89: {  	s3 =	sld [smem:$0x3FFE];
	_ =	sdelay $0x1  }
0x8a: {  	s1 =	srdreg.scid  }
0x8b: {  	s0 =	sand.u32 $0x1, s1  }
0x8c: {  	s17 =	sshll.u32 s0, $0xA;
	s2 =	sadd.s32 s3, s2  }
0x8d: {  	s2 =	sadd.s32 s2, s17  }
0x8e: {  	[smem:$0x3FC2] =	sst s2  }
0x8f: {  	_ = 	snop  }
0x90: {  	s2 =	sld [smem:$0x3FD0];
	(tm) =	ssettm $0x1  }
0x91: {  	s18 =	sld [smem:$0x3FFB];
	_ =	sdelay $0x3  }
0x92: {  	_ =	strace s18  }
0x93: {  	s3 =	sld [smem:$0x3FFC];
	_ =	sdelay $0x3  }
0x94: {  	_ =	strace s3  }
0x95: {  	s3 =	sld [smem:$0x3FFD];
	_ =	sdelay $0x3  }
0x96: {  	_ =	strace s3  }
0x97: {  	_ =	strace $0x8FFFFFFF  }
0x98: {  	s19 =	sld [smem:$0x3FDB];
	_ =	sdelay $0x1  }
0x99: {  	s4 =	simm.s32 $_scs_section_size  }
0x9a: {  	s5 =	simm.s32 $_size__tile_overlayer_lowered;
	s6 =	simm.s32 $_tile_overlayer_lowered  }
0x9b: {  	s22 =	simm.s32 $0x1BFF;
	s21 =	sshll.u32 s6, $0x1;
	s3 =	sadd.s32 s4, s19  }
0x9c: {  	s7 =	simm.s32 $0x0;
	s20 =	sshll.u32 s5, $0x1;
	s5 =	sadd.s32 s21, s3  }
0x9d: {  	[timem:s7], [sflag:s22] =	dma.local [hbm:s5], s20  }
0x9e: {  	_ =	swait.ge [sflag:s22], s20  }
0x9f: {  	s4 =	ssub.s32 $0x0, s20;
	[sflag:s22] =	ssyncset.done $0x0  }
0xa0: {  	[sflag:s22] =	ssyncadd.s32 s4;
	_ =	sdelay $0x1  }
0xa1: {  	s23 =	simm.s32 $0x1B8B  }
0xa2: {  	_ =	swait.ge [sflag:s23], $0x1  }
0xa3: {  	[sflag:s23] =	ssyncset.done $0x0  }
0xa4: {  	s25 =	simm.s32 $0x1B8E;
	s24 =	sld [smem:$0x3FFE];
	[sflag:s23] =	ssyncadd.s32 $0xFFFFFFFF  }
0xa5: {  	s26 =	simm.s32 $execute0_lowered;
	[smem:$0x3FD2] =	sst s25  }
0xa6: {  	s5 =	sshll.u32 s26, $0x1;
	_ =	strace $0x80000046;
	[dreg:$0x1] =	wrdreg $0xFFFFFFFF  }
0xa7: {  	s28 =	simm.s32 $_size_execute0_lowered;
	s3 =	sadd.s32 s3, s5;
	[dreg:$0x0] =	wrdreg $0x0  }
0xa8: {  	s5 =	sshll.u32 s28, $0x1;
	[dreg:$0x2] =	wrdreg s3  }
0xa9: {  	[dreg:$0x3] =	wrdreg s5  }
0xaa: {  	[dreg:$0x4] =	wrdreg $0xC0  }
0xab: {  	_ =	task [dreg:s7], $0x5FFFF  }
0xac: {  	[dreg:$0x1] =	wrdreg $0xFFFFFFFF  }
0xad: {  	[dreg:$0x0] =	wrdreg $0x60  }
0xae: {  	[dreg:$0x2] =	wrdreg s2  }
0xaf: {  	[dreg:$0x3] =	wrdreg s24  }
0xb0: {  	[dreg:$0x4] =	wrdreg $0x9  }
0xb1: {  	_ =	task.clear_ibuf [dreg:s7], $0x5FFFF;
	_ =	strace $0x90000046  }
0xb2: {  	s29 =	simm.s32 $0x9;
	_ =	strace $0x80000048  }
0xb3: {  	_ =	swait.ge [sflag:s29], $0x1  }
0xb4: {  	[sflag:s29] =	ssyncadd.s32 $0xFFFFFFFF  }
0xb5: {  	_ =	strace $0x90000048  }
0xb6: {  	_ =	sfence  }
0xb7: {  	s30 =	sld [smem:$0x0];
	_ =	sdelay $0x2  }
0xb8: {  	s31 =	sshll.u32 s1, $0xD;
	s1 =	sshrl.u32 s1, $0x2  }
0xb9: {  	s3 =	sand.u32 $0x4000, s31;
	s1 =	sadd.s32 s1, s30  }
0xba: {  	s0 =	sor.u32 s3, s0;
	s1 =	sshll.u32 s1, $0x11  }
0xbb: {  	s0 =	sor.u32 s1, s0  }
0xbc: {  	s0 =	sadd.s32 $0x8F2B, s0  }
0xbd: {  	[sflag:s0] =	ssyncadd.remote.s32 $0x1  }
0xbe: {  	_ =	sfence.sel $0xFFFF  }
0xbf: {  	[dreg:$0x0] =	wrdreg $0xFFFFFFFF;
	(pc) =	sbr.abs _section_cstart, $3  }
0xc0: {  	[dreg:$0x1] =	wrdreg $0xFFFFFFFF  }
0xc1: {  	_ =	task.clear_ibuf [dreg:s7], $0x2FFFF;
	_ =	strace $0x9FFFFFFF  }
0xc2: {  	(tm) =	ssettm $0x7FFFFFFF  }
0xc3: {  	_ =	shalt  }
tec
execute0_lowered:
.L_overlay_start_1:
0x0: {  	(tag) =	ssettag $0x1  }
0x1: {  	s0 =	srdreg.scid  }
0x2: {  	s3 =	sand.u32 $0x1, s0  }
0x3: {  	s0 =	stileid.u32;
	s1 =	sshll.u32 s3, $0x4  }
0x4: {  	s5 =	rddreg [dreg:$0x0];
	s4 =	sor.u32 s0, s1  }
0x5: {  	s6 =	rddreg [dreg:$0x1];
	s2 =	simm.s32 $0x0;
	s1 =	sshrl.u32 s4, $0x3  }
0x6: {  	s9 =	simm.s32 $0x400;
	s8 =	sshll.u32 s0, $0x7;
	s7 =	smul.u32 $0x14000, s1  }
0x7: {  	s10 =	simm.s32 $0x0;
	s3 =	ssub.s32 $0x2, s3;
	s8 =	sand.u32 $0x380, s8  }
0x8: {  	[smem:$0x7FF] =	sst s2;
	s31 =	sshrl.u32 s3, $0x1;
	s7 =	sor.u32 s8, s7  }
0x9: {  	s4 =	smul.u32 $0x500, s4;
	s1 =	rddreg [dreg:$0x2];
	s7 =	sshrl.u32 s7, $0x3  }
0xa: {  	_ =	strace $0x80000047;
	s8 =	simm.s32 $0x80;
	s6 =	sadd.s32 s7, s6  }
0xb: {  	s7 =	ssub.s32 s3, s31;
	s3 =	sadd.s32 s5, s4;
	s4 =	sadd.s32 $0x1800, s6  }
0xc: {  	v0 =	vimm.f32 $0.0e+00;
	v1 =	vimm.f32 $1.000000000e+00;
	s5 =	smax.u32 s7, $0x1;
	s6 =	simm.s32 $0x2800;
	s7 =	simm.s32 $0x1  }
.LBB2_1:
0xd: {  	s11 =	simm.s32 $0x40;
	s12 =	simm.s32 $0x0  }
.LBB2_2:
0xe: {  	p0 =	sne.s32 s11, $0x9FC0;
	[tilespmem:s12+$0x0] =	vst v0;
	s12 =	smov.u32 s11;
	s11 =	sadd.s32 $0x40, s11  }
.Ltmp0:
0xf: {  	(pc) =	sbr.rel @p0 .LBB2_2-.Ltmp0, $2  }
0x10: {  	_ =	sdelay $0x2  }
0x11: {  	s12 =	sshra.s32 s12, $0x2  }
0x12: {  	[tilespmem:s12+$0x0] =	vst v0;
	s11 =	simm.s32 $0x0  }
0x13: {  	[tilespmem:s6], [sflag:$0x1] =	stream.linear.gather [hbm4b:s3+s11], $0x2800, $0x38;
	[tilespmem:$0x5000] =	vst v63  }
0x14: {  	_ =	swait.ge [sflag:s7], $0x2800  }
0x15: {  	[sflag:s7] =	ssyncset.done $0x0  }
0x16: {  	s12 =	simm.s32 $0x0;
	s11 =	simm.s32 $0x40;
	[sflag:s7] =	ssyncadd.s32 $0xFFFFD800  }
.LBB2_4:
0x17: {  	p0 =	sne.s32 s11, $0x9FC0;
	v2 =	vld [tilespmem:s12+$0x2800];
	_ =	sdelay $0x3  }
.Ltmp1:
0x18: {  	(pc) =	sbr.rel @p0 .LBB2_4-.Ltmp1, $2  }
0x19: {  	_ =	sdelay $0x2  }
0x1a: {  	s12 =	sshra.s32 s11, $0x2;
	s11 =	sadd.s32 $0x40, s11;
	[tilespmem:v2+s2+$0x0] =	vst.idx.add.f32.msk $0xffff, v1  }
0x1b: {  	v2 =	vld [tilespmem:s12+$0x2800];
	_ =	sdelay $0x5  }
0x1c: {  	s10 =	sadd.s32 $0x1, s10  }
0x1d: {  	p0 =	sne.s32 s10, s5  }
.Ltmp2:
0x1e: {  	[tilespmem:v2+s2+$0x0] =	vst.idx.add.f32.msk $0xffff, v1;
	(pc) =	sbr.rel @p0 .LBB2_1-.Ltmp2, $4  }
0x1f: {  	[hbm4b:s4+s8] =	stream.strided.scatter [tilespmem:s2], [sflag:$0x1], $0x2800, s9, s8, $0x38;
	[tilespmem:$0x5000] =	vst v63  }
0x20: {  	_ =	swait.ge [sflag:s7], $0x2800  }
0x21: {  	[sflag:s7] =	ssyncset.done $0x0  }
0x22: {  	[sflag:s7] =	ssyncadd.s32 $0xFFFFD800  }
0x23: {  	_ =	sfence.sel $0x180000  }
0x24: {  	[bflag:$0x0] =	sbarrier.arrive $0xFFFF  }
0x25: {  	p0 =	sne.s32 s0, $0x0;
	_ =	strace $0x90000047  }
0x26: {  	s0 =	sadd.s32 @!p0 $0x100000, s1;
	[bflag:$0x2] =	sbarrier.arrive $0xFFFF  }
0x27: {  	[sflag:s0] =	ssyncadd.tile.s32 @!p0 $0x1;
	_ =	shalt  }
.Lfunc_end2:
_tile_overlayer_lowered:
.L_overlay_start_2:
0x28: {  	(tag) =	ssettag $0x2  }
0x29: {  	s0 =	rddreg [dreg:$0x0];
	s2 =	stileid.u32  }
0x2a: {  	s1 =	rddreg [dreg:$0x1];
	p0 =	sne.s32 s2, $0x0  }
0x2b: {  	s3 =	rddreg [dreg:$0x2];
	[bflag:$0x3] =	sbarrier.arrive $0xFFFF;
	s2 =	simm.s32 @!p0 $0x1C01  }
0x2c: {  	[timem:s3], [sflag:s2] =	dma.local @!p0 [hbm:s0], s1  }
0x2d: {  	s0 =	simm.s32 @!p0 $0x1  }
0x2e: {  	_ =	swait.ge @!p0 [sflag:s0], s1  }
0x2f: {  	s1 =	ssub.s32 @!p0 $0x0, s1;
	[sflag:s0] =	ssyncset.done @!p0 $0x0  }
0x30: {  	[sflag:s0] =	ssyncadd.s32 @!p0 s1  }
0x31: {  	[bflag:$0x3] =	sbarrier.arrive $0xFFFF  }
0x32: {  	_ =	shalt  }

</sc_bundles>
